<compile_context>
chip_gen: v7x
topology: tpu7x:2x2x1
jax: 0.10.2.dev20260603
libtpu: 0.0.44.dev20260713+nightly
codegen_flags: <defaults>
</compile_context>

<pallas_src>
import functools

import jax
import jax.numpy as jnp
from jax import lax
from jax.experimental import pallas as pl
from jax.experimental.pallas import tpu as pltpu
from jax.experimental.pallas import tpu_sc as plsc

V = 100000
BASE = 32
DIMS = (32, 32, 32, 51, 102)
_B, _L = 16384, 50


_CB = 8192
_GRID = (V + _CB - 1) // _CB


def _build_body(ba_ref, e0_ref, e1_ref, e2_ref, e3_ref, e4_ref,
                w3_ref, b3_ref, w4_ref, b4_ref, out_ref):
    ba = ba_ref[...]
    p3 = jnp.dot(w3_ref[...], e3_ref[...],
                 preferred_element_type=jnp.float32) + b3_ref[...].T
    p4 = jnp.dot(w4_ref[...], e4_ref[...],
                 preferred_element_type=jnp.float32) + b4_ref[...].T
    ct = jnp.where(ba == 0, e0_ref[...], 0.0)
    ct = ct + jnp.where(ba == 1, e1_ref[...], 0.0)
    ct = ct + jnp.where(ba == 2, e2_ref[...], 0.0)
    ct = ct + jnp.where(ba == 3, p3, 0.0)
    ct = ct + jnp.where(ba == 4, p4, 0.0)
    out_ref[:, :BASE] = ct.T


def _build_combined(ba, e0t, e1t, e2t, e3t, e4t, W3, b3, W4, b4):
    ba2 = ba.reshape(1, V).astype(jnp.int32)
    b3r = b3.reshape(1, BASE)
    b4r = b4.reshape(1, BASE)
    col = lambda i: (0, i)
    fixed = lambda i: (0, 0)
    return pl.pallas_call(
        _build_body,
        grid=(_GRID,),
        in_specs=[
            pl.BlockSpec((1, _CB), col),
            pl.BlockSpec((DIMS[0], _CB), col),
            pl.BlockSpec((DIMS[1], _CB), col),
            pl.BlockSpec((DIMS[2], _CB), col),
            pl.BlockSpec((DIMS[3], _CB), col),
            pl.BlockSpec((DIMS[4], _CB), col),
            pl.BlockSpec((BASE, DIMS[3]), fixed),
            pl.BlockSpec((1, BASE), fixed),
            pl.BlockSpec((BASE, DIMS[4]), fixed),
            pl.BlockSpec((1, BASE), fixed),
        ],
        out_specs=pl.BlockSpec((_CB, 128), lambda i: (i, 0)),
        out_shape=jax.ShapeDtypeStruct((V, 128), jnp.float32),
    )(ba2, e0t, e1t, e2t, e3t, e4t, W3, b3r, W4, b4r)



_NC = 2
_NS = 16
_NW = _NC * _NS
_NTOK = _B * _L
_PER_W = _NTOK // _NW
_CH = 2560
_NCHUNK = _PER_W // _CH


@functools.partial(
    pl.kernel,
    mesh=plsc.VectorSubcoreMesh(core_axis_name="c", subcore_axis_name="s",
                                num_cores=_NC),
    out_type=jax.ShapeDtypeStruct((_NTOK, BASE), jnp.float32),
    scratch_types=[
        pltpu.VMEM((_CH,), jnp.int32),
        pltpu.VMEM((_CH,), jnp.int32),
        pltpu.VMEM((_CH, BASE), jnp.float32),
        pltpu.SemaphoreType.DMA,
        pltpu.SemaphoreType.DMA,
    ],
    compiler_params=pltpu.CompilerParams(use_tc_tiling_on_sc=False),
)
def _sc_gather(c_hbm, idx_hbm, dst_hbm, out_hbm, idxc, dstc, rows, sem, sem2):
    wid = lax.axis_index("s") * _NC + lax.axis_index("c")
    base = wid * _PER_W
    for c in range(_NCHUNK):
        off = base + c * _CH
        pltpu.sync_copy(idx_hbm.at[pl.ds(off, _CH)], idxc)
        pltpu.sync_copy(dst_hbm.at[pl.ds(off, _CH)], dstc)
        pltpu.async_copy(c_hbm.at[idxc], rows, sem).wait()
        pltpu.async_copy(rows, out_hbm.at[dstc], sem2).wait()



_BC = 16384
_NBC = _B // _BC


def _tr_body(g_ref, out_ref):
    t = g_ref[...].T.reshape(4, BASE, _BC // 4)
    out_ref[...] = jnp.transpose(t, (1, 0, 2)).reshape(1, BASE, _BC)


def _transpose_out(g128):
    return pl.pallas_call(
        _tr_body,
        grid=(_L, _NBC),
        in_specs=[
            pl.BlockSpec((_BC // 4, 128), lambda l, b: (l * _NBC + b, 0)),
        ],
        out_specs=pl.BlockSpec((1, BASE, _BC), lambda l, b: (l, 0, b)),
        out_shape=jax.ShapeDtypeStruct((_L, BASE, _B), jnp.float32),
    )(g128)



def kernel(x, bucket_assignment, emb0, emb1, emb2, emb3, emb4, W3, b3, W4, b4):
    c_pad = _build_combined(bucket_assignment, emb0.T, emb1.T, emb2.T,
                            emb3.T, emb4.T, W3, b3, W4, b4)
    c_rows = c_pad.reshape(4 * V, BASE)
    idx = x.T.reshape(-1).astype(jnp.int32) * 4
    p = jnp.arange(_NTOK, dtype=jnp.int32)
    u, l_ = p % (_B), p // _B
    bc, v_ = u // _BC, u % _BC
    q, r = v_ // (_BC // 4), v_ % (_BC // 4)
    dst = ((l_ * _NBC + bc) * (_BC // 4) + r) * 4 + q
    g = _sc_gather(c_rows, idx, dst)
    g128 = g.reshape(_NTOK // 4, 128)
    out_phys = _transpose_out(g128)
    return jnp.transpose(out_phys, (2, 0, 1))

# --- scband reference (transcript-rebuilt; emitter-appended) ---
"""Pipeline reference for scband-frequency-aware-embedding-73796128080340 (READ-ONLY COPY).

The authoritative reference and input builder live on the scoring server;
editing this copy changes nothing except your own understanding.
"""

import jax, jax.numpy as jnp
import numpy as np

V = 100000
BASE = 32
NB = 5
# dims = [max(BASE * 2**i // NB, 32) for i in range(NB)] -> [32, 32, 32, 51, 102]
DIMS = [32, 32, 32, 51, 102]
B, L = 16384, 50


def setup_inputs(seed: int = 0) -> dict:
    key = jax.random.key(seed)
    ks = jax.random.split(key, 16)
    x = jax.random.randint(ks[0], (B, L), 0, V)
    bucket_assignment = jax.random.randint(ks[1], (V,), 0, NB)
    inp = {"x": x, "bucket_assignment": bucket_assignment}
    # embedding tables (padding_idx=0 -> row 0 zeroed, matching nn.Embedding(padding_idx=0))
    for i, d in enumerate(DIMS):
        t = jax.random.normal(ks[2 + i], (V, d), dtype=jnp.float32) * 0.02
        t = t.at[0].set(0.0)
        inp[f"emb{i}"] = t
    # projections: Identity for buckets 0..2 (dim==32==base_dim); Linear for buckets 3,4
    inp["W3"] = jax.random.normal(ks[8], (BASE, DIMS[3]), dtype=jnp.float32) * (1.0 / np.sqrt(DIMS[3]))
    inp["b3"] = jnp.zeros((BASE,), dtype=jnp.float32)
    inp["W4"] = jax.random.normal(ks[9], (BASE, DIMS[4]), dtype=jnp.float32) * (1.0 / np.sqrt(DIMS[4]))
    inp["b4"] = jnp.zeros((BASE,), dtype=jnp.float32)
    return inp


def reference(x, bucket_assignment, emb0, emb1, emb2, emb3, emb4, W3, b3, W4, b4):
    batch_shape = x.shape
    x_flat = x.reshape(-1)
    ba = bucket_assignment[x_flat]  # gather of bucket ids
    tables = [emb0, emb1, emb2, emb3, emb4]
    projs = [None, None, None, (W3, b3), (W4, b4)]
    out = jnp.zeros((x_flat.shape[0], BASE), dtype=jnp.float32)
    for bucket_id in range(NB):
        e = jnp.take(tables[bucket_id], x_flat, axis=0)  # embedding gather
        p = projs[bucket_id]
        if p is not None:
            W, b = p
            e = e @ W.T + b
        mask = (ba == bucket_id)[:, None]
        out = out + jnp.where(mask, e, 0.0)
    return out.reshape(*batch_shape, BASE)

if __name__ == "__main__":
    import jax
    _d = setup_inputs()
    print(jax.jit(kernel)(*tuple(_d.values())))

</pallas_src>

<mosaic_0001>
#map = affine_map<(d0, d1) -> (0, 0)>
#map1 = affine_map<(d0, d1) -> (0)>
module attributes {stable_mosaic.version = 14 : i64} {
  func.func @_sc_gather(%arg0: i32, %arg1: i32, %arg2: memref<400000x32xf32, #tpu.memory_space<hbm>>, %arg3: memref<819200xi32, #tpu.memory_space<hbm>>, %arg4: memref<819200xi32, #tpu.memory_space<hbm>>, %arg5: memref<819200x32xf32, #tpu.memory_space<hbm>>, %arg6: memref<2560xi32, #tpu.memory_space<vmem>>, %arg7: memref<2560xi32, #tpu.memory_space<vmem>>, %arg8: memref<2560x32xf32, #tpu.memory_space<vmem>>, %arg9: memref<!tpu.dma_semaphore, #tpu.memory_space<semaphore_mem>>, %arg10: memref<!tpu.dma_semaphore, #tpu.memory_space<semaphore_mem>>) attributes {dimension_semantics = [#tpu.dimension_semantics<core_parallel>, #tpu.dimension_semantics<subcore_parallel>], iteration_bounds = array<i64: 2, 16>, scalar_prefetch = 0 : i64, scratch_operands = 5 : i64, tpu.core_type = #tpu.core_type<sc_vector_subcore>, window_params = [{transform_indices = #map}, {transform_indices = #map1}, {transform_indices = #map1}, {transform_indices = #map}]} {
    %mul3A = arith.constant 2 : i32
    %mul3A_0 = arith.muli %arg1, %mul3A : i32
    %add3A = arith.addi %mul3A_0, %arg0 : i32
    %mul3A_1 = arith.constant 25600 : i32
    %mul3A_2 = arith.muli %add3A, %mul3A_1 : i32
    %add3A_3 = arith.constant 0 : i32
    %add3A_4 = arith.addi %mul3A_2, %add3A_3 : i32
    "tpu.region"() ({
      %run_scoped3A = tpu.sem_alloc : memref<!tpu.dma_semaphore, #tpu.memory_space<semaphore_mem>>
      %dma_start3A_141 = tpu.memref_slice %arg3[%add3A_4] : memref<819200xi32, #tpu.memory_space<hbm>> -> memref<2560xi32, #tpu.memory_space<hbm>>
      %dma_start3A_142 = tpu.memref_slice %arg3[%add3A_4] : memref<819200xi32, #tpu.memory_space<hbm>> -> memref<2560xi32, #tpu.memory_space<hbm>>
      tpu.enqueue_dma source(%dma_start3A_142 : memref<2560xi32, #tpu.memory_space<hbm>>) target(%arg6 : memref<2560xi32, #tpu.memory_space<vmem>>) target_semaphore(%run_scoped3A : memref<!tpu.dma_semaphore, #tpu.memory_space<semaphore_mem>>)
      %dma_wait3A_143 = tpu.memref_slice %arg3[%add3A_4] : memref<819200xi32, #tpu.memory_space<hbm>> -> memref<2560xi32, #tpu.memory_space<hbm>>
      %dma_wait3A_144 = tpu.memref_slice %arg3[%add3A_4] : memref<819200xi32, #tpu.memory_space<hbm>> -> memref<2560xi32, #tpu.memory_space<hbm>>
      tpu.wait_dma2 semaphore(%run_scoped3A : memref<!tpu.dma_semaphore, #tpu.memory_space<semaphore_mem>>) src(%dma_wait3A_144 : memref<2560xi32, #tpu.memory_space<hbm>>) dst(%arg6 : memref<2560xi32, #tpu.memory_space<vmem>>)
      tpu.yield
    }) : () -> ()
    "tpu.region"() ({
      %run_scoped3A = tpu.sem_alloc : memref<!tpu.dma_semaphore, #tpu.memory_space<semaphore_mem>>
      %dma_start3A_141 = tpu.memref_slice %arg4[%add3A_4] : memref<819200xi32, #tpu.memory_space<hbm>> -> memref<2560xi32, #tpu.memory_space<hbm>>
      %dma_start3A_142 = tpu.memref_slice %arg4[%add3A_4] : memref<819200xi32, #tpu.memory_space<hbm>> -> memref<2560xi32, #tpu.memory_space<hbm>>
      tpu.enqueue_dma source(%dma_start3A_142 : memref<2560xi32, #tpu.memory_space<hbm>>) target(%arg7 : memref<2560xi32, #tpu.memory_space<vmem>>) target_semaphore(%run_scoped3A : memref<!tpu.dma_semaphore, #tpu.memory_space<semaphore_mem>>)
      %dma_wait3A_143 = tpu.memref_slice %arg4[%add3A_4] : memref<819200xi32, #tpu.memory_space<hbm>> -> memref<2560xi32, #tpu.memory_space<hbm>>
      %dma_wait3A_144 = tpu.memref_slice %arg4[%add3A_4] : memref<819200xi32, #tpu.memory_space<hbm>> -> memref<2560xi32, #tpu.memory_space<hbm>>
      tpu.wait_dma2 semaphore(%run_scoped3A : memref<!tpu.dma_semaphore, #tpu.memory_space<semaphore_mem>>) src(%dma_wait3A_144 : memref<2560xi32, #tpu.memory_space<hbm>>) dst(%arg7 : memref<2560xi32, #tpu.memory_space<vmem>>)
      tpu.yield
    }) : () -> ()
    %dma_start3A = arith.constant 0 : i32
    %dma_start3A_5 = arith.constant 0 : i32
    %dma_start3A_6 = tpu.memref_slice %arg2[%dma_start3A, %dma_start3A_5] : memref<400000x32xf32, #tpu.memory_space<hbm>> -> memref<400000x32xf32, #tpu.memory_space<hbm>>
    tpu.enqueue_indirect_dma source(%dma_start3A_6 : memref<400000x32xf32, #tpu.memory_space<hbm>>) target(%arg8 : memref<2560x32xf32, #tpu.memory_space<vmem>>) offsets(%arg6 : memref<2560xi32, #tpu.memory_space<vmem>>) semaphore(%arg9 : memref<!tpu.dma_semaphore, #tpu.memory_space<semaphore_mem>>)
    %dma_wait3A = arith.constant 0 : i32
    %dma_wait3A_7 = arith.constant 0 : i32
    %dma_wait3A_8 = tpu.memref_slice %arg2[%dma_wait3A, %dma_wait3A_7] : memref<400000x32xf32, #tpu.memory_space<hbm>> -> memref<400000x32xf32, #tpu.memory_space<hbm>>
    tpu.wait_indirect_dma semaphore(%arg9 : memref<!tpu.dma_semaphore, #tpu.memory_space<semaphore_mem>>) src(%dma_wait3A_8 : memref<400000x32xf32, #tpu.memory_space<hbm>>) dst(%arg8 : memref<2560x32xf32, #tpu.memory_space<vmem>>)
    %dma_start3A_9 = arith.constant 0 : i32
    %dma_start3A_10 = arith.constant 0 : i32
    %dma_start3A_11 = tpu.memref_slice %arg5[%dma_start3A_9, %dma_start3A_10] : memref<819200x32xf32, #tpu.memory_space<hbm>> -> memref<819200x32xf32, #tpu.memory_space<hbm>>
    tpu.enqueue_indirect_dma source(%arg8 : memref<2560x32xf32, #tpu.memory_space<vmem>>) target(%dma_start3A_11 : memref<819200x32xf32, #tpu.memory_space<hbm>>) offsets(%arg7 : memref<2560xi32, #tpu.memory_space<vmem>>) semaphore(%arg10 : memref<!tpu.dma_semaphore, #tpu.memory_space<semaphore_mem>>)
    %dma_wait3A_12 = arith.constant 0 : i32
    %dma_wait3A_13 = arith.constant 0 : i32
    %dma_wait3A_14 = tpu.memref_slice %arg5[%dma_wait3A_12, %dma_wait3A_13] : memref<819200x32xf32, #tpu.memory_space<hbm>> -> memref<819200x32xf32, #tpu.memory_space<hbm>>
    tpu.wait_indirect_dma semaphore(%arg10 : memref<!tpu.dma_semaphore, #tpu.memory_space<semaphore_mem>>) src(%arg8 : memref<2560x32xf32, #tpu.memory_space<vmem>>) dst(%dma_wait3A_14 : memref<819200x32xf32, #tpu.memory_space<hbm>>)
    %add3A_15 = arith.constant 2560 : i32
    %add3A_16 = arith.addi %mul3A_2, %add3A_15 : i32
    "tpu.region"() ({
      %run_scoped3A = tpu.sem_alloc : memref<!tpu.dma_semaphore, #tpu.memory_space<semaphore_mem>>
      %dma_start3A_141 = tpu.memref_slice %arg3[%add3A_16] : memref<819200xi32, #tpu.memory_space<hbm>> -> memref<2560xi32, #tpu.memory_space<hbm>>
      %dma_start3A_142 = tpu.memref_slice %arg3[%add3A_16] : memref<819200xi32, #tpu.memory_space<hbm>> -> memref<2560xi32, #tpu.memory_space<hbm>>
      tpu.enqueue_dma source(%dma_start3A_142 : memref<2560xi32, #tpu.memory_space<hbm>>) target(%arg6 : memref<2560xi32, #tpu.memory_space<vmem>>) target_semaphore(%run_scoped3A : memref<!tpu.dma_semaphore, #tpu.memory_space<semaphore_mem>>)
      %dma_wait3A_143 = tpu.memref_slice %arg3[%add3A_16] : memref<819200xi32, #tpu.memory_space<hbm>> -> memref<2560xi32, #tpu.memory_space<hbm>>
      %dma_wait3A_144 = tpu.memref_slice %arg3[%add3A_16] : memref<819200xi32, #tpu.memory_space<hbm>> -> memref<2560xi32, #tpu.memory_space<hbm>>
      tpu.wait_dma2 semaphore(%run_scoped3A : memref<!tpu.dma_semaphore, #tpu.memory_space<semaphore_mem>>) src(%dma_wait3A_144 : memref<2560xi32, #tpu.memory_space<hbm>>) dst(%arg6 : memref<2560xi32, #tpu.memory_space<vmem>>)
      tpu.yield
    }) : () -> ()
    "tpu.region"() ({
      %run_scoped3A = tpu.sem_alloc : memref<!tpu.dma_semaphore, #tpu.memory_space<semaphore_mem>>
      %dma_start3A_141 = tpu.memref_slice %arg4[%add3A_16] : memref<819200xi32, #tpu.memory_space<hbm>> -> memref<2560xi32, #tpu.memory_space<hbm>>
      %dma_start3A_142 = tpu.memref_slice %arg4[%add3A_16] : memref<819200xi32, #tpu.memory_space<hbm>> -> memref<2560xi32, #tpu.memory_space<hbm>>
      tpu.enqueue_dma source(%dma_start3A_142 : memref<2560xi32, #tpu.memory_space<hbm>>) target(%arg7 : memref<2560xi32, #tpu.memory_space<vmem>>) target_semaphore(%run_scoped3A : memref<!tpu.dma_semaphore, #tpu.memory_space<semaphore_mem>>)
      %dma_wait3A_143 = tpu.memref_slice %arg4[%add3A_16] : memref<819200xi32, #tpu.memory_space<hbm>> -> memref<2560xi32, #tpu.memory_space<hbm>>
      %dma_wait3A_144 = tpu.memref_slice %arg4[%add3A_16] : memref<819200xi32, #tpu.memory_space<hbm>> -> memref<2560xi32, #tpu.memory_space<hbm>>
      tpu.wait_dma2 semaphore(%run_scoped3A : memref<!tpu.dma_semaphore, #tpu.memory_space<semaphore_mem>>) src(%dma_wait3A_144 : memref<2560xi32, #tpu.memory_space<hbm>>) dst(%arg7 : memref<2560xi32, #tpu.memory_space<vmem>>)
      tpu.yield
    }) : () -> ()
    %dma_start3A_17 = arith.constant 0 : i32
    %dma_start3A_18 = arith.constant 0 : i32
    %dma_start3A_19 = tpu.memref_slice %arg2[%dma_start3A_17, %dma_start3A_18] : memref<400000x32xf32, #tpu.memory_space<hbm>> -> memref<400000x32xf32, #tpu.memory_space<hbm>>
    tpu.enqueue_indirect_dma source(%dma_start3A_19 : memref<400000x32xf32, #tpu.memory_space<hbm>>) target(%arg8 : memref<2560x32xf32, #tpu.memory_space<vmem>>) offsets(%arg6 : memref<2560xi32, #tpu.memory_space<vmem>>) semaphore(%arg9 : memref<!tpu.dma_semaphore, #tpu.memory_space<semaphore_mem>>)
    %dma_wait3A_20 = arith.constant 0 : i32
    %dma_wait3A_21 = arith.constant 0 : i32
    %dma_wait3A_22 = tpu.memref_slice %arg2[%dma_wait3A_20, %dma_wait3A_21] : memref<400000x32xf32, #tpu.memory_space<hbm>> -> memref<400000x32xf32, #tpu.memory_space<hbm>>
    tpu.wait_indirect_dma semaphore(%arg9 : memref<!tpu.dma_semaphore, #tpu.memory_space<semaphore_mem>>) src(%dma_wait3A_22 : memref<400000x32xf32, #tpu.memory_space<hbm>>) dst(%arg8 : memref<2560x32xf32, #tpu.memory_space<vmem>>)
    %dma_start3A_23 = arith.constant 0 : i32
    %dma_start3A_24 = arith.constant 0 : i32
    %dma_start3A_25 = tpu.memref_slice %arg5[%dma_start3A_23, %dma_start3A_24] : memref<819200x32xf32, #tpu.memory_space<hbm>> -> memref<819200x32xf32, #tpu.memory_space<hbm>>
    tpu.enqueue_indirect_dma source(%arg8 : memref<2560x32xf32, #tpu.memory_space<vmem>>) target(%dma_start3A_25 : memref<819200x32xf32, #tpu.memory_space<hbm>>) offsets(%arg7 : memref<2560xi32, #tpu.memory_space<vmem>>) semaphore(%arg10 : memref<!tpu.dma_semaphore, #tpu.memory_space<semaphore_mem>>)
    %dma_wait3A_26 = arith.constant 0 : i32
    %dma_wait3A_27 = arith.constant 0 : i32
    %dma_wait3A_28 = tpu.memref_slice %arg5[%dma_wait3A_26, %dma_wait3A_27] : memref<819200x32xf32, #tpu.memory_space<hbm>> -> memref<819200x32xf32, #tpu.memory_space<hbm>>
    tpu.wait_indirect_dma semaphore(%arg10 : memref<!tpu.dma_semaphore, #tpu.memory_space<semaphore_mem>>) src(%arg8 : memref<2560x32xf32, #tpu.memory_space<vmem>>) dst(%dma_wait3A_28 : memref<819200x32xf32, #tpu.memory_space<hbm>>)
    %add3A_29 = arith.constant 5120 : i32
    %add3A_30 = arith.addi %mul3A_2, %add3A_29 : i32
    "tpu.region"() ({
      %run_scoped3A = tpu.sem_alloc : memref<!tpu.dma_semaphore, #tpu.memory_space<semaphore_mem>>
      %dma_start3A_141 = tpu.memref_slice %arg3[%add3A_30] : memref<819200xi32, #tpu.memory_space<hbm>> -> memref<2560xi32, #tpu.memory_space<hbm>>
      %dma_start3A_142 = tpu.memref_slice %arg3[%add3A_30] : memref<819200xi32, #tpu.memory_space<hbm>> -> memref<2560xi32, #tpu.memory_space<hbm>>
      tpu.enqueue_dma source(%dma_start3A_142 : memref<2560xi32, #tpu.memory_space<hbm>>) target(%arg6 : memref<2560xi32, #tpu.memory_space<vmem>>) target_semaphore(%run_scoped3A : memref<!tpu.dma_semaphore, #tpu.memory_space<semaphore_mem>>)
      %dma_wait3A_143 = tpu.memref_slice %arg3[%add3A_30] : memref<819200xi32, #tpu.memory_space<hbm>> -> memref<2560xi32, #tpu.memory_space<hbm>>
      %dma_wait3A_144 = tpu.memref_slice %arg3[%add3A_30] : memref<819200xi32, #tpu.memory_space<hbm>> -> memref<2560xi32, #tpu.memory_space<hbm>>
      tpu.wait_dma2 semaphore(%run_scoped3A : memref<!tpu.dma_semaphore, #tpu.memory_space<semaphore_mem>>) src(%dma_wait3A_144 : memref<2560xi32, #tpu.memory_space<hbm>>) dst(%arg6 : memref<2560xi32, #tpu.memory_space<vmem>>)
      tpu.yield
    }) : () -> ()
    "tpu.region"() ({
      %run_scoped3A = tpu.sem_alloc : memref<!tpu.dma_semaphore, #tpu.memory_space<semaphore_mem>>
      %dma_start3A_141 = tpu.memref_slice %arg4[%add3A_30] : memref<819200xi32, #tpu.memory_space<hbm>> -> memref<2560xi32, #tpu.memory_space<hbm>>
      %dma_start3A_142 = tpu.memref_slice %arg4[%add3A_30] : memref<819200xi32, #tpu.memory_space<hbm>> -> memref<2560xi32, #tpu.memory_space<hbm>>
      tpu.enqueue_dma source(%dma_start3A_142 : memref<2560xi32, #tpu.memory_space<hbm>>) target(%arg7 : memref<2560xi32, #tpu.memory_space<vmem>>) target_semaphore(%run_scoped3A : memref<!tpu.dma_semaphore, #tpu.memory_space<semaphore_mem>>)
      %dma_wait3A_143 = tpu.memref_slice %arg4[%add3A_30] : memref<819200xi32, #tpu.memory_space<hbm>> -> memref<2560xi32, #tpu.memory_space<hbm>>
      %dma_wait3A_144 = tpu.memref_slice %arg4[%add3A_30] : memref<819200xi32, #tpu.memory_space<hbm>> -> memref<2560xi32, #tpu.memory_space<hbm>>
      tpu.wait_dma2 semaphore(%run_scoped3A : memref<!tpu.dma_semaphore, #tpu.memory_space<semaphore_mem>>) src(%dma_wait3A_144 : memref<2560xi32, #tpu.memory_space<hbm>>) dst(%arg7 : memref<2560xi32, #tpu.memory_space<vmem>>)
      tpu.yield
    }) : () -> ()
    %dma_start3A_31 = arith.constant 0 : i32
    %dma_start3A_32 = arith.constant 0 : i32
    %dma_start3A_33 = tpu.memref_slice %arg2[%dma_start3A_31, %dma_start3A_32] : memref<400000x32xf32, #tpu.memory_space<hbm>> -> memref<400000x32xf32, #tpu.memory_space<hbm>>
    tpu.enqueue_indirect_dma source(%dma_start3A_33 : memref<400000x32xf32, #tpu.memory_space<hbm>>) target(%arg8 : memref<2560x32xf32, #tpu.memory_space<vmem>>) offsets(%arg6 : memref<2560xi32, #tpu.memory_space<vmem>>) semaphore(%arg9 : memref<!tpu.dma_semaphore, #tpu.memory_space<semaphore_mem>>)
    %dma_wait3A_34 = arith.constant 0 : i32
    %dma_wait3A_35 = arith.constant 0 : i32
    %dma_wait3A_36 = tpu.memref_slice %arg2[%dma_wait3A_34, %dma_wait3A_35] : memref<400000x32xf32, #tpu.memory_space<hbm>> -> memref<400000x32xf32, #tpu.memory_space<hbm>>
    tpu.wait_indirect_dma semaphore(%arg9 : memref<!tpu.dma_semaphore, #tpu.memory_space<semaphore_mem>>) src(%dma_wait3A_36 : memref<400000x32xf32, #tpu.memory_space<hbm>>) dst(%arg8 : memref<2560x32xf32, #tpu.memory_space<vmem>>)
    %dma_start3A_37 = arith.constant 0 : i32
    %dma_start3A_38 = arith.constant 0 : i32
    %dma_start3A_39 = tpu.memref_slice %arg5[%dma_start3A_37, %dma_start3A_38] : memref<819200x32xf32, #tpu.memory_space<hbm>> -> memref<819200x32xf32, #tpu.memory_space<hbm>>
    tpu.enqueue_indirect_dma source(%arg8 : memref<2560x32xf32, #tpu.memory_space<vmem>>) target(%dma_start3A_39 : memref<819200x32xf32, #tpu.memory_space<hbm>>) offsets(%arg7 : memref<2560xi32, #tpu.memory_space<vmem>>) semaphore(%arg10 : memref<!tpu.dma_semaphore, #tpu.memory_space<semaphore_mem>>)
    %dma_wait3A_40 = arith.constant 0 : i32
    %dma_wait3A_41 = arith.constant 0 : i32
    %dma_wait3A_42 = tpu.memref_slice %arg5[%dma_wait3A_40, %dma_wait3A_41] : memref<819200x32xf32, #tpu.memory_space<hbm>> -> memref<819200x32xf32, #tpu.memory_space<hbm>>
    tpu.wait_indirect_dma semaphore(%arg10 : memref<!tpu.dma_semaphore, #tpu.memory_space<semaphore_mem>>) src(%arg8 : memref<2560x32xf32, #tpu.memory_space<vmem>>) dst(%dma_wait3A_42 : memref<819200x32xf32, #tpu.memory_space<hbm>>)
    %add3A_43 = arith.constant 7680 : i32
    %add3A_44 = arith.addi %mul3A_2, %add3A_43 : i32
    "tpu.region"() ({
      %run_scoped3A = tpu.sem_alloc : memref<!tpu.dma_semaphore, #tpu.memory_space<semaphore_mem>>
      %dma_start3A_141 = tpu.memref_slice %arg3[%add3A_44] : memref<819200xi32, #tpu.memory_space<hbm>> -> memref<2560xi32, #tpu.memory_space<hbm>>
      %dma_start3A_142 = tpu.memref_slice %arg3[%add3A_44] : memref<819200xi32, #tpu.memory_space<hbm>> -> memref<2560xi32, #tpu.memory_space<hbm>>
      tpu.enqueue_dma source(%dma_start3A_142 : memref<2560xi32, #tpu.memory_space<hbm>>) target(%arg6 : memref<2560xi32, #tpu.memory_space<vmem>>) target_semaphore(%run_scoped3A : memref<!tpu.dma_semaphore, #tpu.memory_space<semaphore_mem>>)
      %dma_wait3A_143 = tpu.memref_slice %arg3[%add3A_44] : memref<819200xi32, #tpu.memory_space<hbm>> -> memref<2560xi32, #tpu.memory_space<hbm>>
      %dma_wait3A_144 = tpu.memref_slice %arg3[%add3A_44] : memref<819200xi32, #tpu.memory_space<hbm>> -> memref<2560xi32, #tpu.memory_space<hbm>>
      tpu.wait_dma2 semaphore(%run_scoped3A : memref<!tpu.dma_semaphore, #tpu.memory_space<semaphore_mem>>) src(%dma_wait3A_144 : memref<2560xi32, #tpu.memory_space<hbm>>) dst(%arg6 : memref<2560xi32, #tpu.memory_space<vmem>>)
      tpu.yield
    }) : () -> ()
    "tpu.region"() ({
      %run_scoped3A = tpu.sem_alloc : memref<!tpu.dma_semaphore, #tpu.memory_space<semaphore_mem>>
      %dma_start3A_141 = tpu.memref_slice %arg4[%add3A_44] : memref<819200xi32, #tpu.memory_space<hbm>> -> memref<2560xi32, #tpu.memory_space<hbm>>
      %dma_start3A_142 = tpu.memref_slice %arg4[%add3A_44] : memref<819200xi32, #tpu.memory_space<hbm>> -> memref<2560xi32, #tpu.memory_space<hbm>>
      tpu.enqueue_dma source(%dma_start3A_142 : memref<2560xi32, #tpu.memory_space<hbm>>) target(%arg7 : memref<2560xi32, #tpu.memory_space<vmem>>) target_semaphore(%run_scoped3A : memref<!tpu.dma_semaphore, #tpu.memory_space<semaphore_mem>>)
      %dma_wait3A_143 = tpu.memref_slice %arg4[%add3A_44] : memref<819200xi32, #tpu.memory_space<hbm>> -> memref<2560xi32, #tpu.memory_space<hbm>>
      %dma_wait3A_144 = tpu.memref_slice %arg4[%add3A_44] : memref<819200xi32, #tpu.memory_space<hbm>> -> memref<2560xi32, #tpu.memory_space<hbm>>
      tpu.wait_dma2 semaphore(%run_scoped3A : memref<!tpu.dma_semaphore, #tpu.memory_space<semaphore_mem>>) src(%dma_wait3A_144 : memref<2560xi32, #tpu.memory_space<hbm>>) dst(%arg7 : memref<2560xi32, #tpu.memory_space<vmem>>)
      tpu.yield
    }) : () -> ()
    %dma_start3A_45 = arith.constant 0 : i32
    %dma_start3A_46 = arith.constant 0 : i32
    %dma_start3A_47 = tpu.memref_slice %arg2[%dma_start3A_45, %dma_start3A_46] : memref<400000x32xf32, #tpu.memory_space<hbm>> -> memref<400000x32xf32, #tpu.memory_space<hbm>>
    tpu.enqueue_indirect_dma source(%dma_start3A_47 : memref<400000x32xf32, #tpu.memory_space<hbm>>) target(%arg8 : memref<2560x32xf32, #tpu.memory_space<vmem>>) offsets(%arg6 : memref<2560xi32, #tpu.memory_space<vmem>>) semaphore(%arg9 : memref<!tpu.dma_semaphore, #tpu.memory_space<semaphore_mem>>)
    %dma_wait3A_48 = arith.constant 0 : i32
    %dma_wait3A_49 = arith.constant 0 : i32
    %dma_wait3A_50 = tpu.memref_slice %arg2[%dma_wait3A_48, %dma_wait3A_49] : memref<400000x32xf32, #tpu.memory_space<hbm>> -> memref<400000x32xf32, #tpu.memory_space<hbm>>
    tpu.wait_indirect_dma semaphore(%arg9 : memref<!tpu.dma_semaphore, #tpu.memory_space<semaphore_mem>>) src(%dma_wait3A_50 : memref<400000x32xf32, #tpu.memory_space<hbm>>) dst(%arg8 : memref<2560x32xf32, #tpu.memory_space<vmem>>)
    %dma_start3A_51 = arith.constant 0 : i32
    %dma_start3A_52 = arith.constant 0 : i32
    %dma_start3A_53 = tpu.memref_slice %arg5[%dma_start3A_51, %dma_start3A_52] : memref<819200x32xf32, #tpu.memory_space<hbm>> -> memref<819200x32xf32, #tpu.memory_space<hbm>>
    tpu.enqueue_indirect_dma source(%arg8 : memref<2560x32xf32, #tpu.memory_space<vmem>>) target(%dma_start3A_53 : memref<819200x32xf32, #tpu.memory_space<hbm>>) offsets(%arg7 : memref<2560xi32, #tpu.memory_space<vmem>>) semaphore(%arg10 : memref<!tpu.dma_semaphore, #tpu.memory_space<semaphore_mem>>)
    %dma_wait3A_54 = arith.constant 0 : i32
    %dma_wait3A_55 = arith.constant 0 : i32
    %dma_wait3A_56 = tpu.memref_slice %arg5[%dma_wait3A_54, %dma_wait3A_55] : memref<819200x32xf32, #tpu.memory_space<hbm>> -> memref<819200x32xf32, #tpu.memory_space<hbm>>
    tpu.wait_indirect_dma semaphore(%arg10 : memref<!tpu.dma_semaphore, #tpu.memory_space<semaphore_mem>>) src(%arg8 : memref<2560x32xf32, #tpu.memory_space<vmem>>) dst(%dma_wait3A_56 : memref<819200x32xf32, #tpu.memory_space<hbm>>)
    %add3A_57 = arith.constant 10240 : i32
    %add3A_58 = arith.addi %mul3A_2, %add3A_57 : i32
    "tpu.region"() ({
      %run_scoped3A = tpu.sem_alloc : memref<!tpu.dma_semaphore, #tpu.memory_space<semaphore_mem>>
      %dma_start3A_141 = tpu.memref_slice %arg3[%add3A_58] : memref<819200xi32, #tpu.memory_space<hbm>> -> memref<2560xi32, #tpu.memory_space<hbm>>
      %dma_start3A_142 = tpu.memref_slice %arg3[%add3A_58] : memref<819200xi32, #tpu.memory_space<hbm>> -> memref<2560xi32, #tpu.memory_space<hbm>>
      tpu.enqueue_dma source(%dma_start3A_142 : memref<2560xi32, #tpu.memory_space<hbm>>) target(%arg6 : memref<2560xi32, #tpu.memory_space<vmem>>) target_semaphore(%run_scoped3A : memref<!tpu.dma_semaphore, #tpu.memory_space<semaphore_mem>>)
      %dma_wait3A_143 = tpu.memref_slice %arg3[%add3A_58] : memref<819200xi32, #tpu.memory_space<hbm>> -> memref<2560xi32, #tpu.memory_space<hbm>>
      %dma_wait3A_144 = tpu.memref_slice %arg3[%add3A_58] : memref<819200xi32, #tpu.memory_space<hbm>> -> memref<2560xi32, #tpu.memory_space<hbm>>
      tpu.wait_dma2 semaphore(%run_scoped3A : memref<!tpu.dma_semaphore, #tpu.memory_space<semaphore_mem>>) src(%dma_wait3A_144 : memref<2560xi32, #tpu.memory_space<hbm>>) dst(%arg6 : memref<2560xi32, #tpu.memory_space<vmem>>)
      tpu.yield
    }) : () -> ()
    "tpu.region"() ({
      %run_scoped3A = tpu.sem_alloc : memref<!tpu.dma_semaphore, #tpu.memory_space<semaphore_mem>>
      %dma_start3A_141 = tpu.memref_slice %arg4[%add3A_58] : memref<819200xi32, #tpu.memory_space<hbm>> -> memref<2560xi32, #tpu.memory_space<hbm>>
      %dma_start3A_142 = tpu.memref_slice %arg4[%add3A_58] : memref<819200xi32, #tpu.memory_space<hbm>> -> memref<2560xi32, #tpu.memory_space<hbm>>
      tpu.enqueue_dma source(%dma_start3A_142 : memref<2560xi32, #tpu.memory_space<hbm>>) target(%arg7 : memref<2560xi32, #tpu.memory_space<vmem>>) target_semaphore(%run_scoped3A : memref<!tpu.dma_semaphore, #tpu.memory_space<semaphore_mem>>)
      %dma_wait3A_143 = tpu.memref_slice %arg4[%add3A_58] : memref<819200xi32, #tpu.memory_space<hbm>> -> memref<2560xi32, #tpu.memory_space<hbm>>
      %dma_wait3A_144 = tpu.memref_slice %arg4[%add3A_58] : memref<819200xi32, #tpu.memory_space<hbm>> -> memref<2560xi32, #tpu.memory_space<hbm>>
      tpu.wait_dma2 semaphore(%run_scoped3A : memref<!tpu.dma_semaphore, #tpu.memory_space<semaphore_mem>>) src(%dma_wait3A_144 : memref<2560xi32, #tpu.memory_space<hbm>>) dst(%arg7 : memref<2560xi32, #tpu.memory_space<vmem>>)
      tpu.yield
    }) : () -> ()
    %dma_start3A_59 = arith.constant 0 : i32
    %dma_start3A_60 = arith.constant 0 : i32
    %dma_start3A_61 = tpu.memref_slice %arg2[%dma_start3A_59, %dma_start3A_60] : memref<400000x32xf32, #tpu.memory_space<hbm>> -> memref<400000x32xf32, #tpu.memory_space<hbm>>
    tpu.enqueue_indirect_dma source(%dma_start3A_61 : memref<400000x32xf32, #tpu.memory_space<hbm>>) target(%arg8 : memref<2560x32xf32, #tpu.memory_space<vmem>>) offsets(%arg6 : memref<2560xi32, #tpu.memory_space<vmem>>) semaphore(%arg9 : memref<!tpu.dma_semaphore, #tpu.memory_space<semaphore_mem>>)
    %dma_wait3A_62 = arith.constant 0 : i32
    %dma_wait3A_63 = arith.constant 0 : i32
    %dma_wait3A_64 = tpu.memref_slice %arg2[%dma_wait3A_62, %dma_wait3A_63] : memref<400000x32xf32, #tpu.memory_space<hbm>> -> memref<400000x32xf32, #tpu.memory_space<hbm>>
    tpu.wait_indirect_dma semaphore(%arg9 : memref<!tpu.dma_semaphore, #tpu.memory_space<semaphore_mem>>) src(%dma_wait3A_64 : memref<400000x32xf32, #tpu.memory_space<hbm>>) dst(%arg8 : memref<2560x32xf32, #tpu.memory_space<vmem>>)
    %dma_start3A_65 = arith.constant 0 : i32
    %dma_start3A_66 = arith.constant 0 : i32
    %dma_start3A_67 = tpu.memref_slice %arg5[%dma_start3A_65, %dma_start3A_66] : memref<819200x32xf32, #tpu.memory_space<hbm>> -> memref<819200x32xf32, #tpu.memory_space<hbm>>
    tpu.enqueue_indirect_dma source(%arg8 : memref<2560x32xf32, #tpu.memory_space<vmem>>) target(%dma_start3A_67 : memref<819200x32xf32, #tpu.memory_space<hbm>>) offsets(%arg7 : memref<2560xi32, #tpu.memory_space<vmem>>) semaphore(%arg10 : memref<!tpu.dma_semaphore, #tpu.memory_space<semaphore_mem>>)
    %dma_wait3A_68 = arith.constant 0 : i32
    %dma_wait3A_69 = arith.constant 0 : i32
    %dma_wait3A_70 = tpu.memref_slice %arg5[%dma_wait3A_68, %dma_wait3A_69] : memref<819200x32xf32, #tpu.memory_space<hbm>> -> memref<819200x32xf32, #tpu.memory_space<hbm>>
    tpu.wait_indirect_dma semaphore(%arg10 : memref<!tpu.dma_semaphore, #tpu.memory_space<semaphore_mem>>) src(%arg8 : memref<2560x32xf32, #tpu.memory_space<vmem>>) dst(%dma_wait3A_70 : memref<819200x32xf32, #tpu.memory_space<hbm>>)
    %add3A_71 = arith.constant 12800 : i32
    %add3A_72 = arith.addi %mul3A_2, %add3A_71 : i32
    "tpu.region"() ({
      %run_scoped3A = tpu.sem_alloc : memref<!tpu.dma_semaphore, #tpu.memory_space<semaphore_mem>>
      %dma_start3A_141 = tpu.memref_slice %arg3[%add3A_72] : memref<819200xi32, #tpu.memory_space<hbm>> -> memref<2560xi32, #tpu.memory_space<hbm>>
      %dma_start3A_142 = tpu.memref_slice %arg3[%add3A_72] : memref<819200xi32, #tpu.memory_space<hbm>> -> memref<2560xi32, #tpu.memory_space<hbm>>
      tpu.enqueue_dma source(%dma_start3A_142 : memref<2560xi32, #tpu.memory_space<hbm>>) target(%arg6 : memref<2560xi32, #tpu.memory_space<vmem>>) target_semaphore(%run_scoped3A : memref<!tpu.dma_semaphore, #tpu.memory_space<semaphore_mem>>)
      %dma_wait3A_143 = tpu.memref_slice %arg3[%add3A_72] : memref<819200xi32, #tpu.memory_space<hbm>> -> memref<2560xi32, #tpu.memory_space<hbm>>
      %dma_wait3A_144 = tpu.memref_slice %arg3[%add3A_72] : memref<819200xi32, #tpu.memory_space<hbm>> -> memref<2560xi32, #tpu.memory_space<hbm>>
      tpu.wait_dma2 semaphore(%run_scoped3A : memref<!tpu.dma_semaphore, #tpu.memory_space<semaphore_mem>>) src(%dma_wait3A_144 : memref<2560xi32, #tpu.memory_space<hbm>>) dst(%arg6 : memref<2560xi32, #tpu.memory_space<vmem>>)
      tpu.yield
    }) : () -> ()
    "tpu.region"() ({
      %run_scoped3A = tpu.sem_alloc : memref<!tpu.dma_semaphore, #tpu.memory_space<semaphore_mem>>
      %dma_start3A_141 = tpu.memref_slice %arg4[%add3A_72] : memref<819200xi32, #tpu.memory_space<hbm>> -> memref<2560xi32, #tpu.memory_space<hbm>>
      %dma_start3A_142 = tpu.memref_slice %arg4[%add3A_72] : memref<819200xi32, #tpu.memory_space<hbm>> -> memref<2560xi32, #tpu.memory_space<hbm>>
      tpu.enqueue_dma source(%dma_start3A_142 : memref<2560xi32, #tpu.memory_space<hbm>>) target(%arg7 : memref<2560xi32, #tpu.memory_space<vmem>>) target_semaphore(%run_scoped3A : memref<!tpu.dma_semaphore, #tpu.memory_space<semaphore_mem>>)
      %dma_wait3A_143 = tpu.memref_slice %arg4[%add3A_72] : memref<819200xi32, #tpu.memory_space<hbm>> -> memref<2560xi32, #tpu.memory_space<hbm>>
      %dma_wait3A_144 = tpu.memref_slice %arg4[%add3A_72] : memref<819200xi32, #tpu.memory_space<hbm>> -> memref<2560xi32, #tpu.memory_space<hbm>>
      tpu.wait_dma2 semaphore(%run_scoped3A : memref<!tpu.dma_semaphore, #tpu.memory_space<semaphore_mem>>) src(%dma_wait3A_144 : memref<2560xi32, #tpu.memory_space<hbm>>) dst(%arg7 : memref<2560xi32, #tpu.memory_space<vmem>>)
      tpu.yield
    }) : () -> ()
    %dma_start3A_73 = arith.constant 0 : i32
    %dma_start3A_74 = arith.constant 0 : i32
    %dma_start3A_75 = tpu.memref_slice %arg2[%dma_start3A_73, %dma_start3A_74] : memref<400000x32xf32, #tpu.memory_space<hbm>> -> memref<400000x32xf32, #tpu.memory_space<hbm>>
    tpu.enqueue_indirect_dma source(%dma_start3A_75 : memref<400000x32xf32, #tpu.memory_space<hbm>>) target(%arg8 : memref<2560x32xf32, #tpu.memory_space<vmem>>) offsets(%arg6 : memref<2560xi32, #tpu.memory_space<vmem>>) semaphore(%arg9 : memref<!tpu.dma_semaphore, #tpu.memory_space<semaphore_mem>>)
    %dma_wait3A_76 = arith.constant 0 : i32
    %dma_wait3A_77 = arith.constant 0 : i32
    %dma_wait3A_78 = tpu.memref_slice %arg2[%dma_wait3A_76, %dma_wait3A_77] : memref<400000x32xf32, #tpu.memory_space<hbm>> -> memref<400000x32xf32, #tpu.memory_space<hbm>>
    tpu.wait_indirect_dma semaphore(%arg9 : memref<!tpu.dma_semaphore, #tpu.memory_space<semaphore_mem>>) src(%dma_wait3A_78 : memref<400000x32xf32, #tpu.memory_space<hbm>>) dst(%arg8 : memref<2560x32xf32, #tpu.memory_space<vmem>>)
    %dma_start3A_79 = arith.constant 0 : i32
    %dma_start3A_80 = arith.constant 0 : i32
    %dma_start3A_81 = tpu.memref_slice %arg5[%dma_start3A_79, %dma_start3A_80] : memref<819200x32xf32, #tpu.memory_space<hbm>> -> memref<819200x32xf32, #tpu.memory_space<hbm>>
    tpu.enqueue_indirect_dma source(%arg8 : memref<2560x32xf32, #tpu.memory_space<vmem>>) target(%dma_start3A_81 : memref<819200x32xf32, #tpu.memory_space<hbm>>) offsets(%arg7 : memref<2560xi32, #tpu.memory_space<vmem>>) semaphore(%arg10 : memref<!tpu.dma_semaphore, #tpu.memory_space<semaphore_mem>>)
    %dma_wait3A_82 = arith.constant 0 : i32
    %dma_wait3A_83 = arith.constant 0 : i32
    %dma_wait3A_84 = tpu.memref_slice %arg5[%dma_wait3A_82, %dma_wait3A_83] : memref<819200x32xf32, #tpu.memory_space<hbm>> -> memref<819200x32xf32, #tpu.memory_space<hbm>>
    tpu.wait_indirect_dma semaphore(%arg10 : memref<!tpu.dma_semaphore, #tpu.memory_space<semaphore_mem>>) src(%arg8 : memref<2560x32xf32, #tpu.memory_space<vmem>>) dst(%dma_wait3A_84 : memref<819200x32xf32, #tpu.memory_space<hbm>>)
    %add3A_85 = arith.constant 15360 : i32
    %add3A_86 = arith.addi %mul3A_2, %add3A_85 : i32
    "tpu.region"() ({
      %run_scoped3A = tpu.sem_alloc : memref<!tpu.dma_semaphore, #tpu.memory_space<semaphore_mem>>
      %dma_start3A_141 = tpu.memref_slice %arg3[%add3A_86] : memref<819200xi32, #tpu.memory_space<hbm>> -> memref<2560xi32, #tpu.memory_space<hbm>>
      %dma_start3A_142 = tpu.memref_slice %arg3[%add3A_86] : memref<819200xi32, #tpu.memory_space<hbm>> -> memref<2560xi32, #tpu.memory_space<hbm>>
      tpu.enqueue_dma source(%dma_start3A_142 : memref<2560xi32, #tpu.memory_space<hbm>>) target(%arg6 : memref<2560xi32, #tpu.memory_space<vmem>>) target_semaphore(%run_scoped3A : memref<!tpu.dma_semaphore, #tpu.memory_space<semaphore_mem>>)
      %dma_wait3A_143 = tpu.memref_slice %arg3[%add3A_86] : memref<819200xi32, #tpu.memory_space<hbm>> -> memref<2560xi32, #tpu.memory_space<hbm>>
      %dma_wait3A_144 = tpu.memref_slice %arg3[%add3A_86] : memref<819200xi32, #tpu.memory_space<hbm>> -> memref<2560xi32, #tpu.memory_space<hbm>>
      tpu.wait_dma2 semaphore(%run_scoped3A : memref<!tpu.dma_semaphore, #tpu.memory_space<semaphore_mem>>) src(%dma_wait3A_144 : memref<2560xi32, #tpu.memory_space<hbm>>) dst(%arg6 : memref<2560xi32, #tpu.memory_space<vmem>>)
      tpu.yield
    }) : () -> ()
    "tpu.region"() ({
      %run_scoped3A = tpu.sem_alloc : memref<!tpu.dma_semaphore, #tpu.memory_space<semaphore_mem>>
      %dma_start3A_141 = tpu.memref_slice %arg4[%add3A_86] : memref<819200xi32, #tpu.memory_space<hbm>> -> memref<2560xi32, #tpu.memory_space<hbm>>
      %dma_start3A_142 = tpu.memref_slice %arg4[%add3A_86] : memref<819200xi32, #tpu.memory_space<hbm>> -> memref<2560xi32, #tpu.memory_space<hbm>>
      tpu.enqueue_dma source(%dma_start3A_142 : memref<2560xi32, #tpu.memory_space<hbm>>) target(%arg7 : memref<2560xi32, #tpu.memory_space<vmem>>) target_semaphore(%run_scoped3A : memref<!tpu.dma_semaphore, #tpu.memory_space<semaphore_mem>>)
      %dma_wait3A_143 = tpu.memref_slice %arg4[%add3A_86] : memref<819200xi32, #tpu.memory_space<hbm>> -> memref<2560xi32, #tpu.memory_space<hbm>>
      %dma_wait3A_144 = tpu.memref_slice %arg4[%add3A_86] : memref<819200xi32, #tpu.memory_space<hbm>> -> memref<2560xi32, #tpu.memory_space<hbm>>
      tpu.wait_dma2 semaphore(%run_scoped3A : memref<!tpu.dma_semaphore, #tpu.memory_space<semaphore_mem>>) src(%dma_wait3A_144 : memref<2560xi32, #tpu.memory_space<hbm>>) dst(%arg7 : memref<2560xi32, #tpu.memory_space<vmem>>)
      tpu.yield
    }) : () -> ()
    %dma_start3A_87 = arith.constant 0 : i32
    %dma_start3A_88 = arith.constant 0 : i32
    %dma_start3A_89 = tpu.memref_slice %arg2[%dma_start3A_87, %dma_start3A_88] : memref<400000x32xf32, #tpu.memory_space<hbm>> -> memref<400000x32xf32, #tpu.memory_space<hbm>>
    tpu.enqueue_indirect_dma source(%dma_start3A_89 : memref<400000x32xf32, #tpu.memory_space<hbm>>) target(%arg8 : memref<2560x32xf32, #tpu.memory_space<vmem>>) offsets(%arg6 : memref<2560xi32, #tpu.memory_space<vmem>>) semaphore(%arg9 : memref<!tpu.dma_semaphore, #tpu.memory_space<semaphore_mem>>)
    %dma_wait3A_90 = arith.constant 0 : i32
    %dma_wait3A_91 = arith.constant 0 : i32
    %dma_wait3A_92 = tpu.memref_slice %arg2[%dma_wait3A_90, %dma_wait3A_91] : memref<400000x32xf32, #tpu.memory_space<hbm>> -> memref<400000x32xf32, #tpu.memory_space<hbm>>
    tpu.wait_indirect_dma semaphore(%arg9 : memref<!tpu.dma_semaphore, #tpu.memory_space<semaphore_mem>>) src(%dma_wait3A_92 : memref<400000x32xf32, #tpu.memory_space<hbm>>) dst(%arg8 : memref<2560x32xf32, #tpu.memory_space<vmem>>)
    %dma_start3A_93 = arith.constant 0 : i32
    %dma_start3A_94 = arith.constant 0 : i32
    %dma_start3A_95 = tpu.memref_slice %arg5[%dma_start3A_93, %dma_start3A_94] : memref<819200x32xf32, #tpu.memory_space<hbm>> -> memref<819200x32xf32, #tpu.memory_space<hbm>>
    tpu.enqueue_indirect_dma source(%arg8 : memref<2560x32xf32, #tpu.memory_space<vmem>>) target(%dma_start3A_95 : memref<819200x32xf32, #tpu.memory_space<hbm>>) offsets(%arg7 : memref<2560xi32, #tpu.memory_space<vmem>>) semaphore(%arg10 : memref<!tpu.dma_semaphore, #tpu.memory_space<semaphore_mem>>)
    %dma_wait3A_96 = arith.constant 0 : i32
    %dma_wait3A_97 = arith.constant 0 : i32
    %dma_wait3A_98 = tpu.memref_slice %arg5[%dma_wait3A_96, %dma_wait3A_97] : memref<819200x32xf32, #tpu.memory_space<hbm>> -> memref<819200x32xf32, #tpu.memory_space<hbm>>
    tpu.wait_indirect_dma semaphore(%arg10 : memref<!tpu.dma_semaphore, #tpu.memory_space<semaphore_mem>>) src(%arg8 : memref<2560x32xf32, #tpu.memory_space<vmem>>) dst(%dma_wait3A_98 : memref<819200x32xf32, #tpu.memory_space<hbm>>)
    %add3A_99 = arith.constant 17920 : i32
    %add3A_100 = arith.addi %mul3A_2, %add3A_99 : i32
    "tpu.region"() ({
      %run_scoped3A = tpu.sem_alloc : memref<!tpu.dma_semaphore, #tpu.memory_space<semaphore_mem>>
      %dma_start3A_141 = tpu.memref_slice %arg3[%add3A_100] : memref<819200xi32, #tpu.memory_space<hbm>> -> memref<2560xi32, #tpu.memory_space<hbm>>
      %dma_start3A_142 = tpu.memref_slice %arg3[%add3A_100] : memref<819200xi32, #tpu.memory_space<hbm>> -> memref<2560xi32, #tpu.memory_space<hbm>>
      tpu.enqueue_dma source(%dma_start3A_142 : memref<2560xi32, #tpu.memory_space<hbm>>) target(%arg6 : memref<2560xi32, #tpu.memory_space<vmem>>) target_semaphore(%run_scoped3A : memref<!tpu.dma_semaphore, #tpu.memory_space<semaphore_mem>>)
      %dma_wait3A_143 = tpu.memref_slice %arg3[%add3A_100] : memref<819200xi32, #tpu.memory_space<hbm>> -> memref<2560xi32, #tpu.memory_space<hbm>>
      %dma_wait3A_144 = tpu.memref_slice %arg3[%add3A_100] : memref<819200xi32, #tpu.memory_space<hbm>> -> memref<2560xi32, #tpu.memory_space<hbm>>
      tpu.wait_dma2 semaphore(%run_scoped3A : memref<!tpu.dma_semaphore, #tpu.memory_space<semaphore_mem>>) src(%dma_wait3A_144 : memref<2560xi32, #tpu.memory_space<hbm>>) dst(%arg6 : memref<2560xi32, #tpu.memory_space<vmem>>)
      tpu.yield
    }) : () -> ()
    "tpu.region"() ({
      %run_scoped3A = tpu.sem_alloc : memref<!tpu.dma_semaphore, #tpu.memory_space<semaphore_mem>>
      %dma_start3A_141 = tpu.memref_slice %arg4[%add3A_100] : memref<819200xi32, #tpu.memory_space<hbm>> -> memref<2560xi32, #tpu.memory_space<hbm>>
      %dma_start3A_142 = tpu.memref_slice %arg4[%add3A_100] : memref<819200xi32, #tpu.memory_space<hbm>> -> memref<2560xi32, #tpu.memory_space<hbm>>
      tpu.enqueue_dma source(%dma_start3A_142 : memref<2560xi32, #tpu.memory_space<hbm>>) target(%arg7 : memref<2560xi32, #tpu.memory_space<vmem>>) target_semaphore(%run_scoped3A : memref<!tpu.dma_semaphore, #tpu.memory_space<semaphore_mem>>)
      %dma_wait3A_143 = tpu.memref_slice %arg4[%add3A_100] : memref<819200xi32, #tpu.memory_space<hbm>> -> memref<2560xi32, #tpu.memory_space<hbm>>
      %dma_wait3A_144 = tpu.memref_slice %arg4[%add3A_100] : memref<819200xi32, #tpu.memory_space<hbm>> -> memref<2560xi32, #tpu.memory_space<hbm>>
      tpu.wait_dma2 semaphore(%run_scoped3A : memref<!tpu.dma_semaphore, #tpu.memory_space<semaphore_mem>>) src(%dma_wait3A_144 : memref<2560xi32, #tpu.memory_space<hbm>>) dst(%arg7 : memref<2560xi32, #tpu.memory_space<vmem>>)
      tpu.yield
    }) : () -> ()
    %dma_start3A_101 = arith.constant 0 : i32
    %dma_start3A_102 = arith.constant 0 : i32
    %dma_start3A_103 = tpu.memref_slice %arg2[%dma_start3A_101, %dma_start3A_102] : memref<400000x32xf32, #tpu.memory_space<hbm>> -> memref<400000x32xf32, #tpu.memory_space<hbm>>
    tpu.enqueue_indirect_dma source(%dma_start3A_103 : memref<400000x32xf32, #tpu.memory_space<hbm>>) target(%arg8 : memref<2560x32xf32, #tpu.memory_space<vmem>>) offsets(%arg6 : memref<2560xi32, #tpu.memory_space<vmem>>) semaphore(%arg9 : memref<!tpu.dma_semaphore, #tpu.memory_space<semaphore_mem>>)
    %dma_wait3A_104 = arith.constant 0 : i32
    %dma_wait3A_105 = arith.constant 0 : i32
    %dma_wait3A_106 = tpu.memref_slice %arg2[%dma_wait3A_104, %dma_wait3A_105] : memref<400000x32xf32, #tpu.memory_space<hbm>> -> memref<400000x32xf32, #tpu.memory_space<hbm>>
    tpu.wait_indirect_dma semaphore(%arg9 : memref<!tpu.dma_semaphore, #tpu.memory_space<semaphore_mem>>) src(%dma_wait3A_106 : memref<400000x32xf32, #tpu.memory_space<hbm>>) dst(%arg8 : memref<2560x32xf32, #tpu.memory_space<vmem>>)
    %dma_start3A_107 = arith.constant 0 : i32
    %dma_start3A_108 = arith.constant 0 : i32
    %dma_start3A_109 = tpu.memref_slice %arg5[%dma_start3A_107, %dma_start3A_108] : memref<819200x32xf32, #tpu.memory_space<hbm>> -> memref<819200x32xf32, #tpu.memory_space<hbm>>
    tpu.enqueue_indirect_dma source(%arg8 : memref<2560x32xf32, #tpu.memory_space<vmem>>) target(%dma_start3A_109 : memref<819200x32xf32, #tpu.memory_space<hbm>>) offsets(%arg7 : memref<2560xi32, #tpu.memory_space<vmem>>) semaphore(%arg10 : memref<!tpu.dma_semaphore, #tpu.memory_space<semaphore_mem>>)
    %dma_wait3A_110 = arith.constant 0 : i32
    %dma_wait3A_111 = arith.constant 0 : i32
    %dma_wait3A_112 = tpu.memref_slice %arg5[%dma_wait3A_110, %dma_wait3A_111] : memref<819200x32xf32, #tpu.memory_space<hbm>> -> memref<819200x32xf32, #tpu.memory_space<hbm>>
    tpu.wait_indirect_dma semaphore(%arg10 : memref<!tpu.dma_semaphore, #tpu.memory_space<semaphore_mem>>) src(%arg8 : memref<2560x32xf32, #tpu.memory_space<vmem>>) dst(%dma_wait3A_112 : memref<819200x32xf32, #tpu.memory_space<hbm>>)
    %add3A_113 = arith.constant 20480 : i32
    %add3A_114 = arith.addi %mul3A_2, %add3A_113 : i32
    "tpu.region"() ({
      %run_scoped3A = tpu.sem_alloc : memref<!tpu.dma_semaphore, #tpu.memory_space<semaphore_mem>>
      %dma_start3A_141 = tpu.memref_slice %arg3[%add3A_114] : memref<819200xi32, #tpu.memory_space<hbm>> -> memref<2560xi32, #tpu.memory_space<hbm>>
      %dma_start3A_142 = tpu.memref_slice %arg3[%add3A_114] : memref<819200xi32, #tpu.memory_space<hbm>> -> memref<2560xi32, #tpu.memory_space<hbm>>
      tpu.enqueue_dma source(%dma_start3A_142 : memref<2560xi32, #tpu.memory_space<hbm>>) target(%arg6 : memref<2560xi32, #tpu.memory_space<vmem>>) target_semaphore(%run_scoped3A : memref<!tpu.dma_semaphore, #tpu.memory_space<semaphore_mem>>)
      %dma_wait3A_143 = tpu.memref_slice %arg3[%add3A_114] : memref<819200xi32, #tpu.memory_space<hbm>> -> memref<2560xi32, #tpu.memory_space<hbm>>
      %dma_wait3A_144 = tpu.memref_slice %arg3[%add3A_114] : memref<819200xi32, #tpu.memory_space<hbm>> -> memref<2560xi32, #tpu.memory_space<hbm>>
      tpu.wait_dma2 semaphore(%run_scoped3A : memref<!tpu.dma_semaphore, #tpu.memory_space<semaphore_mem>>) src(%dma_wait3A_144 : memref<2560xi32, #tpu.memory_space<hbm>>) dst(%arg6 : memref<2560xi32, #tpu.memory_space<vmem>>)
      tpu.yield
    }) : () -> ()
    "tpu.region"() ({
      %run_scoped3A = tpu.sem_alloc : memref<!tpu.dma_semaphore, #tpu.memory_space<semaphore_mem>>
      %dma_start3A_141 = tpu.memref_slice %arg4[%add3A_114] : memref<819200xi32, #tpu.memory_space<hbm>> -> memref<2560xi32, #tpu.memory_space<hbm>>
      %dma_start3A_142 = tpu.memref_slice %arg4[%add3A_114] : memref<819200xi32, #tpu.memory_space<hbm>> -> memref<2560xi32, #tpu.memory_space<hbm>>
      tpu.enqueue_dma source(%dma_start3A_142 : memref<2560xi32, #tpu.memory_space<hbm>>) target(%arg7 : memref<2560xi32, #tpu.memory_space<vmem>>) target_semaphore(%run_scoped3A : memref<!tpu.dma_semaphore, #tpu.memory_space<semaphore_mem>>)
      %dma_wait3A_143 = tpu.memref_slice %arg4[%add3A_114] : memref<819200xi32, #tpu.memory_space<hbm>> -> memref<2560xi32, #tpu.memory_space<hbm>>
      %dma_wait3A_144 = tpu.memref_slice %arg4[%add3A_114] : memref<819200xi32, #tpu.memory_space<hbm>> -> memref<2560xi32, #tpu.memory_space<hbm>>
      tpu.wait_dma2 semaphore(%run_scoped3A : memref<!tpu.dma_semaphore, #tpu.memory_space<semaphore_mem>>) src(%dma_wait3A_144 : memref<2560xi32, #tpu.memory_space<hbm>>) dst(%arg7 : memref<2560xi32, #tpu.memory_space<vmem>>)
      tpu.yield
    }) : () -> ()
    %dma_start3A_115 = arith.constant 0 : i32
    %dma_start3A_116 = arith.constant 0 : i32
    %dma_start3A_117 = tpu.memref_slice %arg2[%dma_start3A_115, %dma_start3A_116] : memref<400000x32xf32, #tpu.memory_space<hbm>> -> memref<400000x32xf32, #tpu.memory_space<hbm>>
    tpu.enqueue_indirect_dma source(%dma_start3A_117 : memref<400000x32xf32, #tpu.memory_space<hbm>>) target(%arg8 : memref<2560x32xf32, #tpu.memory_space<vmem>>) offsets(%arg6 : memref<2560xi32, #tpu.memory_space<vmem>>) semaphore(%arg9 : memref<!tpu.dma_semaphore, #tpu.memory_space<semaphore_mem>>)
    %dma_wait3A_118 = arith.constant 0 : i32
    %dma_wait3A_119 = arith.constant 0 : i32
    %dma_wait3A_120 = tpu.memref_slice %arg2[%dma_wait3A_118, %dma_wait3A_119] : memref<400000x32xf32, #tpu.memory_space<hbm>> -> memref<400000x32xf32, #tpu.memory_space<hbm>>
    tpu.wait_indirect_dma semaphore(%arg9 : memref<!tpu.dma_semaphore, #tpu.memory_space<semaphore_mem>>) src(%dma_wait3A_120 : memref<400000x32xf32, #tpu.memory_space<hbm>>) dst(%arg8 : memref<2560x32xf32, #tpu.memory_space<vmem>>)
    %dma_start3A_121 = arith.constant 0 : i32
    %dma_start3A_122 = arith.constant 0 : i32
    %dma_start3A_123 = tpu.memref_slice %arg5[%dma_start3A_121, %dma_start3A_122] : memref<819200x32xf32, #tpu.memory_space<hbm>> -> memref<819200x32xf32, #tpu.memory_space<hbm>>
    tpu.enqueue_indirect_dma source(%arg8 : memref<2560x32xf32, #tpu.memory_space<vmem>>) target(%dma_start3A_123 : memref<819200x32xf32, #tpu.memory_space<hbm>>) offsets(%arg7 : memref<2560xi32, #tpu.memory_space<vmem>>) semaphore(%arg10 : memref<!tpu.dma_semaphore, #tpu.memory_space<semaphore_mem>>)
    %dma_wait3A_124 = arith.constant 0 : i32
    %dma_wait3A_125 = arith.constant 0 : i32
    %dma_wait3A_126 = tpu.memref_slice %arg5[%dma_wait3A_124, %dma_wait3A_125] : memref<819200x32xf32, #tpu.memory_space<hbm>> -> memref<819200x32xf32, #tpu.memory_space<hbm>>
    tpu.wait_indirect_dma semaphore(%arg10 : memref<!tpu.dma_semaphore, #tpu.memory_space<semaphore_mem>>) src(%arg8 : memref<2560x32xf32, #tpu.memory_space<vmem>>) dst(%dma_wait3A_126 : memref<819200x32xf32, #tpu.memory_space<hbm>>)
    %add3A_127 = arith.constant 23040 : i32
    %add3A_128 = arith.addi %mul3A_2, %add3A_127 : i32
    "tpu.region"() ({
      %run_scoped3A = tpu.sem_alloc : memref<!tpu.dma_semaphore, #tpu.memory_space<semaphore_mem>>
      %dma_start3A_141 = tpu.memref_slice %arg3[%add3A_128] : memref<819200xi32, #tpu.memory_space<hbm>> -> memref<2560xi32, #tpu.memory_space<hbm>>
      %dma_start3A_142 = tpu.memref_slice %arg3[%add3A_128] : memref<819200xi32, #tpu.memory_space<hbm>> -> memref<2560xi32, #tpu.memory_space<hbm>>
      tpu.enqueue_dma source(%dma_start3A_142 : memref<2560xi32, #tpu.memory_space<hbm>>) target(%arg6 : memref<2560xi32, #tpu.memory_space<vmem>>) target_semaphore(%run_scoped3A : memref<!tpu.dma_semaphore, #tpu.memory_space<semaphore_mem>>)
      %dma_wait3A_143 = tpu.memref_slice %arg3[%add3A_128] : memref<819200xi32, #tpu.memory_space<hbm>> -> memref<2560xi32, #tpu.memory_space<hbm>>
      %dma_wait3A_144 = tpu.memref_slice %arg3[%add3A_128] : memref<819200xi32, #tpu.memory_space<hbm>> -> memref<2560xi32, #tpu.memory_space<hbm>>
      tpu.wait_dma2 semaphore(%run_scoped3A : memref<!tpu.dma_semaphore, #tpu.memory_space<semaphore_mem>>) src(%dma_wait3A_144 : memref<2560xi32, #tpu.memory_space<hbm>>) dst(%arg6 : memref<2560xi32, #tpu.memory_space<vmem>>)
      tpu.yield
    }) : () -> ()
    "tpu.region"() ({
      %run_scoped3A = tpu.sem_alloc : memref<!tpu.dma_semaphore, #tpu.memory_space<semaphore_mem>>
      %dma_start3A_141 = tpu.memref_slice %arg4[%add3A_128] : memref<819200xi32, #tpu.memory_space<hbm>> -> memref<2560xi32, #tpu.memory_space<hbm>>
      %dma_start3A_142 = tpu.memref_slice %arg4[%add3A_128] : memref<819200xi32, #tpu.memory_space<hbm>> -> memref<2560xi32, #tpu.memory_space<hbm>>
      tpu.enqueue_dma source(%dma_start3A_142 : memref<2560xi32, #tpu.memory_space<hbm>>) target(%arg7 : memref<2560xi32, #tpu.memory_space<vmem>>) target_semaphore(%run_scoped3A : memref<!tpu.dma_semaphore, #tpu.memory_space<semaphore_mem>>)
      %dma_wait3A_143 = tpu.memref_slice %arg4[%add3A_128] : memref<819200xi32, #tpu.memory_space<hbm>> -> memref<2560xi32, #tpu.memory_space<hbm>>
      %dma_wait3A_144 = tpu.memref_slice %arg4[%add3A_128] : memref<819200xi32, #tpu.memory_space<hbm>> -> memref<2560xi32, #tpu.memory_space<hbm>>
      tpu.wait_dma2 semaphore(%run_scoped3A : memref<!tpu.dma_semaphore, #tpu.memory_space<semaphore_mem>>) src(%dma_wait3A_144 : memref<2560xi32, #tpu.memory_space<hbm>>) dst(%arg7 : memref<2560xi32, #tpu.memory_space<vmem>>)
      tpu.yield
    }) : () -> ()
    %dma_start3A_129 = arith.constant 0 : i32
    %dma_start3A_130 = arith.constant 0 : i32
    %dma_start3A_131 = tpu.memref_slice %arg2[%dma_start3A_129, %dma_start3A_130] : memref<400000x32xf32, #tpu.memory_space<hbm>> -> memref<400000x32xf32, #tpu.memory_space<hbm>>
    tpu.enqueue_indirect_dma source(%dma_start3A_131 : memref<400000x32xf32, #tpu.memory_space<hbm>>) target(%arg8 : memref<2560x32xf32, #tpu.memory_space<vmem>>) offsets(%arg6 : memref<2560xi32, #tpu.memory_space<vmem>>) semaphore(%arg9 : memref<!tpu.dma_semaphore, #tpu.memory_space<semaphore_mem>>)
    %dma_wait3A_132 = arith.constant 0 : i32
    %dma_wait3A_133 = arith.constant 0 : i32
    %dma_wait3A_134 = tpu.memref_slice %arg2[%dma_wait3A_132, %dma_wait3A_133] : memref<400000x32xf32, #tpu.memory_space<hbm>> -> memref<400000x32xf32, #tpu.memory_space<hbm>>
    tpu.wait_indirect_dma semaphore(%arg9 : memref<!tpu.dma_semaphore, #tpu.memory_space<semaphore_mem>>) src(%dma_wait3A_134 : memref<400000x32xf32, #tpu.memory_space<hbm>>) dst(%arg8 : memref<2560x32xf32, #tpu.memory_space<vmem>>)
    %dma_start3A_135 = arith.constant 0 : i32
    %dma_start3A_136 = arith.constant 0 : i32
    %dma_start3A_137 = tpu.memref_slice %arg5[%dma_start3A_135, %dma_start3A_136] : memref<819200x32xf32, #tpu.memory_space<hbm>> -> memref<819200x32xf32, #tpu.memory_space<hbm>>
    tpu.enqueue_indirect_dma source(%arg8 : memref<2560x32xf32, #tpu.memory_space<vmem>>) target(%dma_start3A_137 : memref<819200x32xf32, #tpu.memory_space<hbm>>) offsets(%arg7 : memref<2560xi32, #tpu.memory_space<vmem>>) semaphore(%arg10 : memref<!tpu.dma_semaphore, #tpu.memory_space<semaphore_mem>>)
    %dma_wait3A_138 = arith.constant 0 : i32
    %dma_wait3A_139 = arith.constant 0 : i32
    %dma_wait3A_140 = tpu.memref_slice %arg5[%dma_wait3A_138, %dma_wait3A_139] : memref<819200x32xf32, #tpu.memory_space<hbm>> -> memref<819200x32xf32, #tpu.memory_space<hbm>>
    tpu.wait_indirect_dma semaphore(%arg10 : memref<!tpu.dma_semaphore, #tpu.memory_space<semaphore_mem>>) src(%arg8 : memref<2560x32xf32, #tpu.memory_space<vmem>>) dst(%dma_wait3A_140 : memref<819200x32xf32, #tpu.memory_space<hbm>>)
    return
  }
}

module attributes {stable_mosaic.version = 14 : i64} {
  func.func @_build_body(%arg0: i32, %arg1: memref<1x8192xi32, #tpu.memory_space<vmem>>, %arg2: memref<32x8192xf32, #tpu.memory_space<vmem>>, %arg3: memref<32x8192xf32, #tpu.memory_space<vmem>>, %arg4: memref<32x8192xf32, #tpu.memory_space<vmem>>, %arg5: memref<51x8192xf32, #tpu.memory_space<vmem>>, %arg6: memref<102x8192xf32, #tpu.memory_space<vmem>>, %arg7: memref<32x51xf32, #tpu.memory_space<vmem>>, %arg8: memref<1x32xf32, #tpu.memory_space<vmem>>, %arg9: memref<32x102xf32, #tpu.memory_space<vmem>>, %arg10: memref<1x32xf32, #tpu.memory_space<vmem>>, %arg11: memref<8192x128xf32, #tpu.memory_space<vmem>>) attributes {dimension_semantics = [#tpu.dimension_semantics<arbitrary>], iteration_bounds = array<i64: 13>, scalar_prefetch = 0 : i64, scratch_operands = 0 : i64, tpu.core_type = #tpu.core_type<tc>, window_params = [{transform_indices = @transform_0, window_bounds = array<i64: 1, 8192>}, {transform_indices = @transform_1, window_bounds = array<i64: 32, 8192>}, {transform_indices = @transform_2, window_bounds = array<i64: 32, 8192>}, {transform_indices = @transform_3, window_bounds = array<i64: 32, 8192>}, {transform_indices = @transform_4, window_bounds = array<i64: 51, 8192>}, {transform_indices = @transform_5, window_bounds = array<i64: 102, 8192>}, {pipeline_mode = #tpu.pipeline_mode<synchronous>, transform_indices = @transform_6, window_bounds = array<i64: 32, 51>}, {pipeline_mode = #tpu.pipeline_mode<synchronous>, transform_indices = @transform_7, window_bounds = array<i64: 1, 32>}, {pipeline_mode = #tpu.pipeline_mode<synchronous>, transform_indices = @transform_8, window_bounds = array<i64: 32, 102>}, {pipeline_mode = #tpu.pipeline_mode<synchronous>, transform_indices = @transform_9, window_bounds = array<i64: 1, 32>}, {transform_indices = @transform_10, window_bounds = array<i64: 8192, 128>}]} {
    %get3A = arith.constant 0 : index
    %get3A_0 = arith.constant 0 : index
    %get3A_1 = vector.load %arg1[%get3A, %get3A_0] : memref<1x8192xi32, #tpu.memory_space<vmem>>, vector<1x8192xi32>
    %get3A_2 = arith.constant 0 : index
    %get3A_3 = arith.constant 0 : index
    %get3A_4 = vector.load %arg7[%get3A_2, %get3A_3] : memref<32x51xf32, #tpu.memory_space<vmem>>, vector<32x51xf32>
    %get3A_5 = arith.constant 0 : index
    %get3A_6 = arith.constant 0 : index
    %get3A_7 = vector.load %arg5[%get3A_5, %get3A_6] : memref<51x8192xf32, #tpu.memory_space<vmem>>, vector<51x8192xf32>
    %dot_general3A = arith.constant dense<0.000000e+00> : vector<32x8192xf32>
    %dot_general3A_8 = tpu.matmul %get3A_4, %get3A_7, %dot_general3A {dimension_numbers = #tpu.dot_dimension_numbers<[1], [0], [0], [1], [0, 0, 1, 1], [], []>, transpose_lhs_hint = false} : vector<32x51xf32>, vector<51x8192xf32>, vector<32x8192xf32> -> vector<32x8192xf32>
    %get3A_9 = arith.constant 0 : index
    %get3A_10 = arith.constant 0 : index
    %get3A_11 = vector.load %arg8[%get3A_9, %get3A_10] : memref<1x32xf32, #tpu.memory_space<vmem>>, vector<1x32xf32>
    %transpose3A = tpu.transpose %get3A_11, [1, 0] : vector<1x32xf32> -> vector<32x1xf32>
    %add3A = vector.broadcast %transpose3A : vector<32x1xf32> to vector<32x8192xf32>
    %add3A_12 = arith.addf %dot_general3A_8, %add3A : vector<32x8192xf32>
    %get3A_13 = arith.constant 0 : index
    %get3A_14 = arith.constant 0 : index
    %get3A_15 = vector.load %arg9[%get3A_13, %get3A_14] : memref<32x102xf32, #tpu.memory_space<vmem>>, vector<32x102xf32>
    %get3A_16 = arith.constant 0 : index
    %get3A_17 = arith.constant 0 : index
    %get3A_18 = vector.load %arg6[%get3A_16, %get3A_17] : memref<102x8192xf32, #tpu.memory_space<vmem>>, vector<102x8192xf32>
    %dot_general3A_19 = arith.constant dense<0.000000e+00> : vector<32x8192xf32>
    %dot_general3A_20 = tpu.matmul %get3A_15, %get3A_18, %dot_general3A_19 {dimension_numbers = #tpu.dot_dimension_numbers<[1], [0], [0], [1], [0, 0, 1, 1], [], []>, transpose_lhs_hint = false} : vector<32x102xf32>, vector<102x8192xf32>, vector<32x8192xf32> -> vector<32x8192xf32>
    %get3A_21 = arith.constant 0 : index
    %get3A_22 = arith.constant 0 : index
    %get3A_23 = vector.load %arg10[%get3A_21, %get3A_22] : memref<1x32xf32, #tpu.memory_space<vmem>>, vector<1x32xf32>
    %transpose3A_24 = tpu.transpose %get3A_23, [1, 0] : vector<1x32xf32> -> vector<32x1xf32>
    %add3A_25 = vector.broadcast %transpose3A_24 : vector<32x1xf32> to vector<32x8192xf32>
    %add3A_26 = arith.addf %dot_general3A_20, %add3A_25 : vector<32x8192xf32>
    %eq3A = arith.constant 0 : i32
    %eq3A_27 = vector.broadcast %eq3A : i32 to vector<1x8192xi32>
    %eq3A_28 = arith.cmpi eq, %get3A_1, %eq3A_27 : vector<1x8192xi32>
    %get3A_29 = arith.constant 0 : index
    %get3A_30 = arith.constant 0 : index
    %get3A_31 = vector.load %arg2[%get3A_29, %get3A_30] : memref<32x8192xf32, #tpu.memory_space<vmem>>, vector<32x8192xf32>
    %jit3A = arith.constant 0.000000e+00 : f32
    %broadcast_in_dim3A = vector.shape_cast %eq3A_28 : vector<1x8192xi1> to vector<1x8192xi1>
    %broadcast_in_dim3A_32 = vector.broadcast %broadcast_in_dim3A : vector<1x8192xi1> to vector<32x8192xi1>
    %broadcast_in_dim3A_33 = vector.broadcast %jit3A : f32 to vector<32x8192xf32>
    %select_n3A = arith.select %broadcast_in_dim3A_32, %get3A_31, %broadcast_in_dim3A_33 : vector<32x8192xi1>, vector<32x8192xf32>
    %eq3A_34 = arith.constant 1 : i32
    %eq3A_35 = vector.broadcast %eq3A_34 : i32 to vector<1x8192xi32>
    %eq3A_36 = arith.cmpi eq, %get3A_1, %eq3A_35 : vector<1x8192xi32>
    %get3A_37 = arith.constant 0 : index
    %get3A_38 = arith.constant 0 : index
    %get3A_39 = vector.load %arg3[%get3A_37, %get3A_38] : memref<32x8192xf32, #tpu.memory_space<vmem>>, vector<32x8192xf32>
    %jit3A_40 = arith.constant 0.000000e+00 : f32
    %broadcast_in_dim3A_41 = vector.shape_cast %eq3A_36 : vector<1x8192xi1> to vector<1x8192xi1>
    %broadcast_in_dim3A_42 = vector.broadcast %broadcast_in_dim3A_41 : vector<1x8192xi1> to vector<32x8192xi1>
    %broadcast_in_dim3A_43 = vector.broadcast %jit3A_40 : f32 to vector<32x8192xf32>
    %select_n3A_44 = arith.select %broadcast_in_dim3A_42, %get3A_39, %broadcast_in_dim3A_43 : vector<32x8192xi1>, vector<32x8192xf32>
    %add3A_45 = arith.addf %select_n3A, %select_n3A_44 : vector<32x8192xf32>
    %eq3A_46 = arith.constant 2 : i32
    %eq3A_47 = vector.broadcast %eq3A_46 : i32 to vector<1x8192xi32>
    %eq3A_48 = arith.cmpi eq, %get3A_1, %eq3A_47 : vector<1x8192xi32>
    %get3A_49 = arith.constant 0 : index
    %get3A_50 = arith.constant 0 : index
    %get3A_51 = vector.load %arg4[%get3A_49, %get3A_50] : memref<32x8192xf32, #tpu.memory_space<vmem>>, vector<32x8192xf32>
    %jit3A_52 = arith.constant 0.000000e+00 : f32
    %broadcast_in_dim3A_53 = vector.shape_cast %eq3A_48 : vector<1x8192xi1> to vector<1x8192xi1>
    %broadcast_in_dim3A_54 = vector.broadcast %broadcast_in_dim3A_53 : vector<1x8192xi1> to vector<32x8192xi1>
    %broadcast_in_dim3A_55 = vector.broadcast %jit3A_52 : f32 to vector<32x8192xf32>
    %select_n3A_56 = arith.select %broadcast_in_dim3A_54, %get3A_51, %broadcast_in_dim3A_55 : vector<32x8192xi1>, vector<32x8192xf32>
    %add3A_57 = arith.addf %add3A_45, %select_n3A_56 : vector<32x8192xf32>
    %eq3A_58 = arith.constant 3 : i32
    %eq3A_59 = vector.broadcast %eq3A_58 : i32 to vector<1x8192xi32>
    %eq3A_60 = arith.cmpi eq, %get3A_1, %eq3A_59 : vector<1x8192xi32>
    %jit3A_61 = arith.constant 0.000000e+00 : f32
    %broadcast_in_dim3A_62 = vector.shape_cast %eq3A_60 : vector<1x8192xi1> to vector<1x8192xi1>
    %broadcast_in_dim3A_63 = vector.broadcast %broadcast_in_dim3A_62 : vector<1x8192xi1> to vector<32x8192xi1>
    %broadcast_in_dim3A_64 = vector.broadcast %jit3A_61 : f32 to vector<32x8192xf32>
    %select_n3A_65 = arith.select %broadcast_in_dim3A_63, %add3A_12, %broadcast_in_dim3A_64 : vector<32x8192xi1>, vector<32x8192xf32>
    %add3A_66 = arith.addf %add3A_57, %select_n3A_65 : vector<32x8192xf32>
    %eq3A_67 = arith.constant 4 : i32
    %eq3A_68 = vector.broadcast %eq3A_67 : i32 to vector<1x8192xi32>
    %eq3A_69 = arith.cmpi eq, %get3A_1, %eq3A_68 : vector<1x8192xi32>
    %jit3A_70 = arith.constant 0.000000e+00 : f32
    %broadcast_in_dim3A_71 = vector.shape_cast %eq3A_69 : vector<1x8192xi1> to vector<1x8192xi1>
    %broadcast_in_dim3A_72 = vector.broadcast %broadcast_in_dim3A_71 : vector<1x8192xi1> to vector<32x8192xi1>
    %broadcast_in_dim3A_73 = vector.broadcast %jit3A_70 : f32 to vector<32x8192xf32>
    %select_n3A_74 = arith.select %broadcast_in_dim3A_72, %add3A_26, %broadcast_in_dim3A_73 : vector<32x8192xi1>, vector<32x8192xf32>
    %add3A_75 = arith.addf %add3A_66, %select_n3A_74 : vector<32x8192xf32>
    %transpose3A_76 = tpu.transpose %add3A_75, [1, 0] : vector<32x8192xf32> -> vector<8192x32xf32>
    %swap3A = arith.constant 0 : index
    %swap3A_77 = arith.constant 0 : index
    %swap3A_78 = vector.load %arg11[%swap3A, %swap3A_77] : memref<8192x128xf32, #tpu.memory_space<vmem>>, vector<8192x32xf32>
    tpu.vector_store %arg11[%swap3A, %swap3A_77], %transpose3A_76 {strides = array<i32>} : memref<8192x128xf32, #tpu.memory_space<vmem>>, vector<8192x32xf32>,
    return
  }
  func.func @transform_0(%arg0: i32) -> (i32, i32) {
    %c0_i32 = arith.constant 0 : i32
    %c0_i32_0 = arith.constant 0 : i32
    return %c0_i32, %arg0 : i32, i32
  }
  func.func @transform_1(%arg0: i32) -> (i32, i32) {
    %c0_i32 = arith.constant 0 : i32
    %c0_i32_0 = arith.constant 0 : i32
    return %c0_i32, %arg0 : i32, i32
  }
  func.func @transform_2(%arg0: i32) -> (i32, i32) {
    %c0_i32 = arith.constant 0 : i32
    %c0_i32_0 = arith.constant 0 : i32
    return %c0_i32, %arg0 : i32, i32
  }
  func.func @transform_3(%arg0: i32) -> (i32, i32) {
    %c0_i32 = arith.constant 0 : i32
    %c0_i32_0 = arith.constant 0 : i32
    return %c0_i32, %arg0 : i32, i32
  }
  func.func @transform_4(%arg0: i32) -> (i32, i32) {
    %c0_i32 = arith.constant 0 : i32
    %c0_i32_0 = arith.constant 0 : i32
    return %c0_i32, %arg0 : i32, i32
  }
  func.func @transform_5(%arg0: i32) -> (i32, i32) {
    %c0_i32 = arith.constant 0 : i32
    %c0_i32_0 = arith.constant 0 : i32
    return %c0_i32, %arg0 : i32, i32
  }
  func.func @transform_6(%arg0: i32) -> (i32, i32) {
    %c0_i32 = arith.constant 0 : i32
    %c0_i32_0 = arith.constant 0 : i32
    %c0_i32_1 = arith.constant 0 : i32
    return %c0_i32, %c0_i32_0 : i32, i32
  }
  func.func @transform_7(%arg0: i32) -> (i32, i32) {
    %c0_i32 = arith.constant 0 : i32
    %c0_i32_0 = arith.constant 0 : i32
    %c0_i32_1 = arith.constant 0 : i32
    return %c0_i32, %c0_i32_0 : i32, i32
  }
  func.func @transform_8(%arg0: i32) -> (i32, i32) {
    %c0_i32 = arith.constant 0 : i32
    %c0_i32_0 = arith.constant 0 : i32
    %c0_i32_1 = arith.constant 0 : i32
    return %c0_i32, %c0_i32_0 : i32, i32
  }
  func.func @transform_9(%arg0: i32) -> (i32, i32) {
    %c0_i32 = arith.constant 0 : i32
    %c0_i32_0 = arith.constant 0 : i32
    %c0_i32_1 = arith.constant 0 : i32
    return %c0_i32, %c0_i32_0 : i32, i32
  }
  func.func @transform_10(%arg0: i32) -> (i32, i32) {
    %c0_i32 = arith.constant 0 : i32
    %c0_i32_0 = arith.constant 0 : i32
    return %arg0, %c0_i32 : i32, i32
  }
}

module attributes {stable_mosaic.version = 14 : i64} {
  func.func @_tr_body(%arg0: i32, %arg1: i32, %arg2: memref<4096x128xf32, #tpu.memory_space<vmem>>, %arg3: memref<1x32x16384xf32, #tpu.memory_space<vmem>>) attributes {dimension_semantics = [#tpu.dimension_semantics<arbitrary>, #tpu.dimension_semantics<arbitrary>], iteration_bounds = array<i64: 50, 1>, scalar_prefetch = 0 : i64, scratch_operands = 0 : i64, tpu.core_type = #tpu.core_type<tc>, window_params = [{transform_indices = @transform_0, window_bounds = array<i64: 4096, 128>}, {transform_indices = @transform_1, window_bounds = array<i64: 1, 32, 16384>}]} {
    %get3A = arith.constant 0 : index
    %get3A_0 = arith.constant 0 : index
    %get3A_1 = vector.load %arg2[%get3A, %get3A_0] : memref<4096x128xf32, #tpu.memory_space<vmem>>, vector<4096x128xf32>
    %transpose3A = tpu.transpose %get3A_1, [1, 0] : vector<4096x128xf32> -> vector<128x4096xf32>
    %reshape3A = vector.shape_cast %transpose3A : vector<128x4096xf32> to vector<4x32x4096xf32>
    %transpose3A_2 = tpu.transpose %reshape3A, [1, 0, 2] : vector<4x32x4096xf32> -> vector<32x4x4096xf32>
    %reshape3A_3 = vector.shape_cast %transpose3A_2 : vector<32x4x4096xf32> to vector<1x32x16384xf32>
    %swap3A = arith.constant 0 : index
    %swap3A_4 = arith.constant 0 : index
    %swap3A_5 = arith.constant 0 : index
    %swap3A_6 = vector.load %arg3[%swap3A, %swap3A_4, %swap3A_5] : memref<1x32x16384xf32, #tpu.memory_space<vmem>>, vector<1x32x16384xf32>
    tpu.vector_store %arg3[%swap3A, %swap3A_4, %swap3A_5], %reshape3A_3 {strides = array<i32>} : memref<1x32x16384xf32, #tpu.memory_space<vmem>>, vector<1x32x16384xf32>,
    return
  }
  func.func @transform_0(%arg0: i32, %arg1: i32) -> (i32, i32) {
    %mul3A = arith.constant 1 : i32
    %mul3A_0 = arith.muli %arg0, %mul3A : i32
    %add3A = arith.addi %mul3A_0, %arg1 : i32
    %c0_i32 = arith.constant 0 : i32
    %c0_i32_1 = arith.constant 0 : i32
    return %add3A, %c0_i32 : i32, i32
  }
  func.func @transform_1(%arg0: i32, %arg1: i32) -> (i32, i32, i32) {
    %c0_i32 = arith.constant 0 : i32
    %c0_i32_0 = arith.constant 0 : i32
    return %arg0, %c0_i32, %arg1 : i32, i32, i32
  }
}

</mosaic_0001>

<sc_bundles>
// kernel: kernel.5.cloned.1.call-start
scs
__scs_entry_jumppad:
0x0: {  	(pc) =	sbr.rel $0x88, $3  }
0x1: {  	(tag) =	ssettag $0x0;
	lr =	simm.s32 $0x1  }
0x2: {  	[smem:$0x3F96] =	sst lr;
	_ =	strace $0xD0000000  }
0x3: {  	_ = 	snop  }
0x4: {  	_ = 	snop  }
0x5: {  	_ = 	snop  }
0x6: {  	_ = 	snop  }
0x7: {  	_ = 	snop  }
__scs_overlays_trampoline_lowered:
0x8: {  	[smem:$0x3FA5] =	sst s0  }
0x9: {  	[smem:$0x3FA6] =	sst s1  }
0xa: {  	[smem:$0x3FA7] =	sst s2  }
0xb: {  	[smem:$0x3FA8] =	sst s3  }
0xc: {  	[smem:$0x3FA9] =	sst s4  }
0xd: {  	[smem:$0x3FAA] =	sst s5  }
0xe: {  	[smem:$0x3FAB] =	sst s6  }
0xf: {  	[smem:$0x3FAC] =	sst s7  }
0x10: {  	[smem:$0x3FAD] =	sst s8  }
0x11: {  	[smem:$0x3FAE] =	sst s9;
	s0 =	simm.s32 @!p0 $0x0  }
0x12: {  	s1 =	sld [smem:$0x3F94];
	s0 =	simm.s32 @p0 $0x1  }
0x13: {  	[smem:$0x3FAF] =	sst s0;
	s0 =	simm.s32 @!p1 $0x0  }
0x14: {  	s2 =	sld [smem:$0x3F93];
	s0 =	simm.s32 @p1 $0x1  }
0x15: {  	[smem:$0x3FB0] =	sst s0;
	s0 =	simm.s32 @!p2 $0x0  }
0x16: {  	s3 =	sld [smem:$0x3FDB];
	s0 =	simm.s32 @p2 $0x1  }
0x17: {  	s4 =	simm.s32 $0x1BF5;
	[smem:$0x3FB2] =	sst s0  }
0x18: {  	s0 =	sld [smem:$0x3F95];
	_ =	swait.ge [sflag:s4], $0x0  }
0x19: {  	s7 =	sld [smem:$0x3F96]  }
0x1a: {  	s8 =	sadd.s32 $0xFFFFE003, lr  }
0x1b: {  	s9 =	sadd.s32 $0xFFFFFEF7, lr;
	s5 =	simm.s32 $0xFFFFFFFF;
	p2 =	slt.u32 s8, $0xFFFFF086  }
0x1c: {  	p1 =	slt.u32 s9, $0xF7A;
	s5 =	simm.s32 @!p2 $0x0  }
0x1d: {  	s5 =	simm.s32 @p1 $0x1;
	p0 =	seq.s32 s7, s2  }
0x1e: {  	s7 =	smul.u32 @!p0 $0xF7A, s2;
	p2 =	seq.s32 @!p0 s5, $0x0  }
0x1f: {  	s9 =	smul.u32 $0xF7A, s1;
	s8 =	simm.s32 @!p0 $0x1BF5;
	p2 =	por !p2, p0  }
0x20: {  	[sflag:s8] =	ssyncset.s32 @!p0 $0xFFFFF086;
	s6 =	sadd.s32 @!p0 s3, s7;
	s7 =	simm.s32 @!p0 $0x108  }
0x21: {  	s3 =	sadd.s32 s3, s9;
	s6 =	sadd.s32 @!p0 $0x88, s6;
	s7 =	simm.s32 @p2 $0x1082  }
0x22: {  	[simem:s7], [sflag:s8] =	dma.local @!p0 [hbm:s6], $0xF7A  }
0x23: {  	s9 =	sor.u32 $0xD0000000, s2;
	s6 =	simm.s32 $0x108;
	_ =	swait.ge @!p0 [sflag:s8], $0x0  }
0x24: {  	s3 =	sadd.s32 $0x88, s3;
	s6 =	simm.s32 @!p1 $0x1082;
	[sflag:s4] =	ssyncset.s32 $0xFFFFF086  }
0x25: {  	[simem:s6], [sflag:s4] =	dma.local [hbm:s3], $0xF7A  }
0x26: {  	[smem:$0x3F96] =	sst s1;
	(tag) =	ssettag s2;
	_ =	strace s9  }
0x27: {  	s1 =	sld [smem:$0x3FA6]  }
0x28: {  	s2 =	sld [smem:$0x3FA7]  }
0x29: {  	s4 =	sld [smem:$0x3FA9]  }
0x2a: {  	p0 =	seq.s32 s5, $0x0;
	s5 =	sld [smem:$0x3FAA]  }
0x2b: {  	s6 =	sld [smem:$0x3FAB]  }
0x2c: {  	s7 =	sld [smem:$0x3FAC]  }
0x2d: {  	s3 =	simm.s32 $0x108;
	s8 =	sld [smem:$0x3FAD]  }
0x2e: {  	s3 =	simm.s32 @!p0 $0x1082;
	s9 =	sld [smem:$0x3FAE]  }
0x2f: {  	lr =	sadd.s32 s0, s3;
	s0 =	sld [smem:$0x3FA5]  }
0x30: {  	s3 =	sld [smem:$0x3FA8]  }
0x31: {  	[smem:$0x3FB1] =	sst s10  }
0x32: {  	s10 =	sld [smem:$0x3FAF];
	_ =	sdelay $0x3  }
0x33: {  	p0 =	seq.s32 s10, $0x1;
	s10 =	sld [smem:$0x3FB1];
	_ =	sdelay $0x3  }
0x34: {  	[smem:$0x3FB1] =	sst s10  }
0x35: {  	s10 =	sld [smem:$0x3FB0];
	_ =	sdelay $0x3  }
0x36: {  	p1 =	seq.s32 s10, $0x1;
	s10 =	sld [smem:$0x3FB1];
	_ =	sdelay $0x3  }
0x37: {  	[smem:$0x3FB1] =	sst s10  }
0x38: {  	s10 =	sld [smem:$0x3FB2]  }
0x39: {  	_ = 	snop;
	(pc) =	sbr.ind lr, $3  }
0x3a: {  	_ = 	snop  }
0x3b: {  	_ = 	snop  }
0x3c: {  	p2 =	seq.s32 s10, $0x1;
	s10 =	sld [smem:$0x3FB1]  }
0x3d: {  	_ =	shalt  }
0x3e: {  	_ =	shalt  }
0x3f: {  	_ =	shalt  }
0x40: {  	_ =	shalt  }
0x41: {  	_ =	shalt  }
0x42: {  	_ =	shalt  }
0x43: {  	_ =	shalt  }
0x44: {  	_ =	shalt  }
0x45: {  	_ =	shalt  }
0x46: {  	_ =	shalt  }
0x47: {  	_ =	shalt  }
0x48: {  	_ =	shalt  }
0x49: {  	_ =	shalt  }
0x4a: {  	_ =	shalt  }
0x4b: {  	_ =	shalt  }
0x4c: {  	_ =	shalt  }
0x4d: {  	_ =	shalt  }
0x4e: {  	_ =	shalt  }
0x4f: {  	_ =	shalt  }
0x50: {  	_ =	shalt  }
0x51: {  	_ =	shalt  }
0x52: {  	_ =	shalt  }
0x53: {  	_ =	shalt  }
0x54: {  	_ =	shalt  }
0x55: {  	_ =	shalt  }
0x56: {  	_ =	shalt  }
0x57: {  	_ =	shalt  }
0x58: {  	_ =	shalt  }
0x59: {  	_ =	shalt  }
0x5a: {  	_ =	shalt  }
0x5b: {  	_ =	shalt  }
0x5c: {  	_ =	shalt  }
0x5d: {  	_ =	shalt  }
0x5e: {  	_ =	shalt  }
0x5f: {  	_ =	shalt  }
0x60: {  	_ =	shalt  }
0x61: {  	_ =	shalt  }
0x62: {  	_ =	shalt  }
0x63: {  	_ =	shalt  }
0x64: {  	_ =	shalt  }
0x65: {  	_ =	shalt  }
0x66: {  	_ =	shalt  }
0x67: {  	_ =	shalt  }
0x68: {  	_ =	shalt  }
0x69: {  	_ =	shalt  }
0x6a: {  	_ =	shalt  }
0x6b: {  	_ =	shalt  }
0x6c: {  	_ =	shalt  }
0x6d: {  	_ =	shalt  }
0x6e: {  	_ =	shalt  }
0x6f: {  	_ =	shalt  }
0x70: {  	_ =	shalt  }
0x71: {  	_ =	shalt  }
0x72: {  	_ =	shalt  }
0x73: {  	_ =	shalt  }
0x74: {  	_ =	shalt  }
0x75: {  	_ =	shalt  }
0x76: {  	_ =	shalt  }
0x77: {  	_ =	shalt  }
0x78: {  	_ =	shalt  }
0x79: {  	_ =	shalt  }
0x7a: {  	_ =	shalt  }
0x7b: {  	_ =	shalt  }
0x7c: {  	_ =	shalt  }
0x7d: {  	_ =	shalt  }
0x7e: {  	_ =	shalt  }
0x7f: {  	_ =	shalt  }
0x80: {  	_ =	shalt  }
0x81: {  	_ =	shalt  }
0x82: {  	_ =	shalt  }
0x83: {  	_ =	shalt  }
0x84: {  	_ =	shalt  }
0x85: {  	_ =	shalt  }
0x86: {  	_ =	shalt  }
0x87: {  	_ =	shalt  }
.Lfunc_end0:
.L_simem_size_0:
called_computation_lowered:
.L_overlay_start_0:
0x88: {  	s2 =	sld [smem:$0x3FD9]  }
0x89: {  	s3 =	sld [smem:$0x3FFE];
	_ =	sdelay $0x1  }
0x8a: {  	s1 =	srdreg.scid  }
0x8b: {  	s0 =	sand.u32 $0x1, s1  }
0x8c: {  	s17 =	sshll.u32 s0, $0xA;
	s2 =	sadd.s32 s3, s2  }
0x8d: {  	s2 =	sadd.s32 s2, s17  }
0x8e: {  	[smem:$0x3FBD] =	sst s2  }
0x8f: {  	_ = 	snop  }
0x90: {  	s2 =	sld [smem:$0x3FD0];
	(tm) =	ssettm $0x1  }
0x91: {  	s18 =	sld [smem:$0x3FFB];
	_ =	sdelay $0x3  }
0x92: {  	_ =	strace s18  }
0x93: {  	s3 =	sld [smem:$0x3FFC];
	_ =	sdelay $0x3  }
0x94: {  	_ =	strace s3  }
0x95: {  	s3 =	sld [smem:$0x3FFD];
	_ =	sdelay $0x3  }
0x96: {  	_ =	strace s3  }
0x97: {  	_ =	strace $0x8FFFFFFF  }
0x98: {  	s19 =	sld [smem:$0x3FDB];
	_ =	sdelay $0x1  }
0x99: {  	s4 =	simm.s32 $_scs_section_size  }
0x9a: {  	s5 =	simm.s32 $_size__tile_overlayer_lowered;
	s6 =	simm.s32 $_tile_overlayer_lowered  }
0x9b: {  	s22 =	simm.s32 $0x1BFF;
	s21 =	sshll.u32 s6, $0x1;
	s3 =	sadd.s32 s4, s19  }
0x9c: {  	s7 =	simm.s32 $0x0;
	s20 =	sshll.u32 s5, $0x1;
	s5 =	sadd.s32 s21, s3  }
0x9d: {  	[timem:s7], [sflag:s22] =	dma.local [hbm:s5], s20  }
0x9e: {  	_ =	swait.ge [sflag:s22], s20  }
0x9f: {  	s4 =	ssub.s32 $0x0, s20;
	[sflag:s22] =	ssyncset.done $0x0  }
0xa0: {  	[sflag:s22] =	ssyncadd.s32 s4;
	_ =	sdelay $0x1  }
0xa1: {  	s23 =	simm.s32 $0x1B8B  }
0xa2: {  	_ =	swait.ge [sflag:s23], $0x1  }
0xa3: {  	[sflag:s23] =	ssyncset.done $0x0  }
0xa4: {  	s25 =	simm.s32 $0x1B8E;
	s24 =	sld [smem:$0x3FFE];
	[sflag:s23] =	ssyncadd.s32 $0xFFFFFFFF  }
0xa5: {  	s26 =	simm.s32 $execute0_lowered;
	[smem:$0x3FD2] =	sst s25  }
0xa6: {  	s5 =	sshll.u32 s26, $0x1;
	_ =	strace $0x80000046;
	[dreg:$0x1] =	wrdreg $0xFFFFFFFF  }
0xa7: {  	s28 =	simm.s32 $_size_execute0_lowered;
	s3 =	sadd.s32 s3, s5;
	[dreg:$0x0] =	wrdreg $0x0  }
0xa8: {  	s5 =	sshll.u32 s28, $0x1;
	[dreg:$0x2] =	wrdreg s3  }
0xa9: {  	[dreg:$0x3] =	wrdreg s5  }
0xaa: {  	[dreg:$0x4] =	wrdreg $0xC0  }
0xab: {  	_ =	task [dreg:s7], $0x5FFFF  }
0xac: {  	[dreg:$0x1] =	wrdreg $0xFFFFFFFF  }
0xad: {  	[dreg:$0x0] =	wrdreg $0x60  }
0xae: {  	[dreg:$0x2] =	wrdreg s2  }
0xaf: {  	[dreg:$0x3] =	wrdreg s24  }
0xb0: {  	[dreg:$0x4] =	wrdreg $0x9  }
0xb1: {  	_ =	task.clear_ibuf [dreg:s7], $0x5FFFF;
	_ =	strace $0x90000046  }
0xb2: {  	s29 =	simm.s32 $0x9;
	_ =	strace $0x80000048  }
0xb3: {  	_ =	swait.ge [sflag:s29], $0x1  }
0xb4: {  	[sflag:s29] =	ssyncadd.s32 $0xFFFFFFFF  }
0xb5: {  	_ =	strace $0x90000048  }
0xb6: {  	_ =	sfence  }
0xb7: {  	s30 =	sld [smem:$0x0];
	_ =	sdelay $0x2  }
0xb8: {  	s31 =	sshll.u32 s1, $0xD;
	s1 =	sshrl.u32 s1, $0x2  }
0xb9: {  	s3 =	sand.u32 $0x4000, s31;
	s1 =	sadd.s32 s1, s30  }
0xba: {  	s0 =	sor.u32 s3, s0;
	s1 =	sshll.u32 s1, $0x11  }
0xbb: {  	s0 =	sor.u32 s1, s0  }
0xbc: {  	s0 =	sadd.s32 $0x8F2B, s0  }
0xbd: {  	[sflag:s0] =	ssyncadd.remote.s32 $0x1  }
0xbe: {  	_ =	sfence.sel $0xFFFF  }
0xbf: {  	[dreg:$0x0] =	wrdreg $0xFFFFFFFF;
	(pc) =	sbr.abs _section_cstart, $3  }
0xc0: {  	[dreg:$0x1] =	wrdreg $0xFFFFFFFF  }
0xc1: {  	_ =	task.clear_ibuf [dreg:s7], $0x2FFFF;
	_ =	strace $0x9FFFFFFF  }
0xc2: {  	(tm) =	ssettm $0x7FFFFFFF  }
0xc3: {  	_ =	shalt  }
tec
execute0_lowered:
.L_overlay_start_1:
0x0: {  	(tag) =	ssettag $0x1  }
0x1: {  	s1 =	srdreg.scid;
	s0 =	stileid.u32  }
0x2: {  	s31 =	sand.u32 $0x1, s1;
	s26 =	sshll.u32 s0, $0x1  }
0x3: {  	s1 =	sor.u32 s31, s26  }
0x4: {  	s2 =	rddreg [dreg:$0x0];
	s1 =	smul.u32 $0x6400, s1  }
0x5: {  	s10 =	rddreg [dreg:$0x1];
	s3 =	simm.s32 $0x0  }
0x6: {  	[smem:$0x7FF] =	sst s3;
	s29 =	sadd.s32 $0x1A200, s10;
	s1 =	sshrl.u32 s1, $0x3  }
0x7: {  	s5 =	simm.s32 $0x3;
	_ =	strace $0x80000047;
	s4 =	sadd.s32 s29, s1  }
0x8: {  	[tilespmem:s3], [sflag:$0x3] =	stream.linear.gather [hbm4b:s4+s3], $0xA00, $0x38;
	[tilespmem:$0x15400] =	vst v63  }
0x9: {  	_ =	swait.ge [sflag:s5], $0xA00  }
0xa: {  	s30 =	sadd.s32 $0x1200, s10;
	[sflag:s5] =	ssyncset.done $0x0  }
0xb: {  	s7 =	simm.s32 $0xA00;
	s6 =	sadd.s32 s30, s1;
	[sflag:s5] =	ssyncadd.s32 $0xFFFFF600  }
0xc: {  	[tilespmem:s7], [sflag:$0x3] =	stream.linear.gather [hbm4b:s6+s3], $0xA00, $0x38;
	[tilespmem:$0x15400] =	vst v63  }
0xd: {  	_ =	swait.ge [sflag:s5], $0xA00  }
0xe: {  	[sflag:s5] =	ssyncset.done $0x0  }
0xf: {  	s8 =	simm.s32 $0x1400;
	s9 =	simm.s32 $0x1;
	[sflag:s5] =	ssyncadd.s32 $0xFFFFF600  }
0x10: {  	[tilespmem:s8], [sflag:$0x1] =	stream.indirect.gather [hbm4b:s2+s7], $0x20, s3, s7, $0xb8;
	[tilespmem:$0x15400] =	vst v63  }
0x11: {  	_ =	swait.ge [sflag:s9], $0x14000  }
0x12: {  	[sflag:s9] =	ssyncset.done $0x0  }
0x13: {  	s11 =	sadd.s32 $0x33200, s10;
	s10 =	simm.s32 $0x2;
	[sflag:s9] =	ssyncadd.s32 $0xFFFEC000  }
0x14: {  	[hbm4b:s11+s7] =	stream.indirect.scatter [tilespmem:s8], [sflag:$0x2], $0x20, s7, s7, $0xb8;
	[tilespmem:$0x15400] =	vst v63  }
0x15: {  	_ =	swait.ge [sflag:s10], $0x14000  }
0x16: {  	s13 =	sadd.s32 $0x140, s1;
	[sflag:s10] =	ssyncset.done $0x0  }
0x17: {  	s12 =	sadd.s32 s29, s13;
	[sflag:s10] =	ssyncadd.s32 $0xFFFEC000  }
0x18: {  	[tilespmem:s3], [sflag:$0x3] =	stream.linear.gather [hbm4b:s12+s3], $0xA00, $0x38;
	[tilespmem:$0x15400] =	vst v63  }
0x19: {  	_ =	swait.ge [sflag:s5], $0xA00  }
0x1a: {  	[sflag:s5] =	ssyncset.done $0x0  }
0x1b: {  	s13 =	sadd.s32 s30, s13;
	[sflag:s5] =	ssyncadd.s32 $0xFFFFF600  }
0x1c: {  	[tilespmem:s7], [sflag:$0x3] =	stream.linear.gather [hbm4b:s13+s3], $0xA00, $0x38;
	[tilespmem:$0x15400] =	vst v63  }
0x1d: {  	_ =	swait.ge [sflag:s5], $0xA00  }
0x1e: {  	[sflag:s5] =	ssyncset.done $0x0  }
0x1f: {  	[sflag:s5] =	ssyncadd.s32 $0xFFFFF600  }
0x20: {  	[tilespmem:s8], [sflag:$0x1] =	stream.indirect.gather [hbm4b:s2+s7], $0x20, s3, s7, $0xb8;
	[tilespmem:$0x15400] =	vst v63  }
0x21: {  	_ =	swait.ge [sflag:s9], $0x14000  }
0x22: {  	[sflag:s9] =	ssyncset.done $0x0  }
0x23: {  	[sflag:s9] =	ssyncadd.s32 $0xFFFEC000  }
0x24: {  	[hbm4b:s11+s7] =	stream.indirect.scatter [tilespmem:s8], [sflag:$0x2], $0x20, s7, s7, $0xb8;
	[tilespmem:$0x15400] =	vst v63  }
0x25: {  	_ =	swait.ge [sflag:s10], $0x14000  }
0x26: {  	s15 =	sadd.s32 $0x280, s1;
	[sflag:s10] =	ssyncset.done $0x0  }
0x27: {  	s14 =	sadd.s32 s29, s15;
	[sflag:s10] =	ssyncadd.s32 $0xFFFEC000  }
0x28: {  	[tilespmem:s3], [sflag:$0x3] =	stream.linear.gather [hbm4b:s14+s3], $0xA00, $0x38;
	[tilespmem:$0x15400] =	vst v63  }
0x29: {  	_ =	swait.ge [sflag:s5], $0xA00  }
0x2a: {  	[sflag:s5] =	ssyncset.done $0x0  }
0x2b: {  	s15 =	sadd.s32 s30, s15;
	[sflag:s5] =	ssyncadd.s32 $0xFFFFF600  }
0x2c: {  	[tilespmem:s7], [sflag:$0x3] =	stream.linear.gather [hbm4b:s15+s3], $0xA00, $0x38;
	[tilespmem:$0x15400] =	vst v63  }
0x2d: {  	_ =	swait.ge [sflag:s5], $0xA00  }
0x2e: {  	[sflag:s5] =	ssyncset.done $0x0  }
0x2f: {  	[sflag:s5] =	ssyncadd.s32 $0xFFFFF600  }
0x30: {  	[tilespmem:s8], [sflag:$0x1] =	stream.indirect.gather [hbm4b:s2+s7], $0x20, s3, s7, $0xb8;
	[tilespmem:$0x15400] =	vst v63  }
0x31: {  	_ =	swait.ge [sflag:s9], $0x14000  }
0x32: {  	[sflag:s9] =	ssyncset.done $0x0  }
0x33: {  	[sflag:s9] =	ssyncadd.s32 $0xFFFEC000  }
0x34: {  	[hbm4b:s11+s7] =	stream.indirect.scatter [tilespmem:s8], [sflag:$0x2], $0x20, s7, s7, $0xb8;
	[tilespmem:$0x15400] =	vst v63  }
0x35: {  	_ =	swait.ge [sflag:s10], $0x14000  }
0x36: {  	s17 =	sadd.s32 $0x3C0, s1;
	[sflag:s10] =	ssyncset.done $0x0  }
0x37: {  	s16 =	sadd.s32 s29, s17;
	[sflag:s10] =	ssyncadd.s32 $0xFFFEC000  }
0x38: {  	[tilespmem:s3], [sflag:$0x3] =	stream.linear.gather [hbm4b:s16+s3], $0xA00, $0x38;
	[tilespmem:$0x15400] =	vst v63  }
0x39: {  	_ =	swait.ge [sflag:s5], $0xA00  }
0x3a: {  	[sflag:s5] =	ssyncset.done $0x0  }
0x3b: {  	s17 =	sadd.s32 s30, s17;
	[sflag:s5] =	ssyncadd.s32 $0xFFFFF600  }
0x3c: {  	[tilespmem:s7], [sflag:$0x3] =	stream.linear.gather [hbm4b:s17+s3], $0xA00, $0x38;
	[tilespmem:$0x15400] =	vst v63  }
0x3d: {  	_ =	swait.ge [sflag:s5], $0xA00  }
0x3e: {  	[sflag:s5] =	ssyncset.done $0x0  }
0x3f: {  	[sflag:s5] =	ssyncadd.s32 $0xFFFFF600  }
0x40: {  	[tilespmem:s8], [sflag:$0x1] =	stream.indirect.gather [hbm4b:s2+s7], $0x20, s3, s7, $0xb8;
	[tilespmem:$0x15400] =	vst v63  }
0x41: {  	_ =	swait.ge [sflag:s9], $0x14000  }
0x42: {  	[sflag:s9] =	ssyncset.done $0x0  }
0x43: {  	[sflag:s9] =	ssyncadd.s32 $0xFFFEC000  }
0x44: {  	[hbm4b:s11+s7] =	stream.indirect.scatter [tilespmem:s8], [sflag:$0x2], $0x20, s7, s7, $0xb8;
	[tilespmem:$0x15400] =	vst v63  }
0x45: {  	_ =	swait.ge [sflag:s10], $0x14000  }
0x46: {  	s19 =	sadd.s32 $0x500, s1;
	[sflag:s10] =	ssyncset.done $0x0  }
0x47: {  	s18 =	sadd.s32 s29, s19;
	[sflag:s10] =	ssyncadd.s32 $0xFFFEC000  }
0x48: {  	[tilespmem:s3], [sflag:$0x3] =	stream.linear.gather [hbm4b:s18+s3], $0xA00, $0x38;
	[tilespmem:$0x15400] =	vst v63  }
0x49: {  	_ =	swait.ge [sflag:s5], $0xA00  }
0x4a: {  	[sflag:s5] =	ssyncset.done $0x0  }
0x4b: {  	s19 =	sadd.s32 s30, s19;
	[sflag:s5] =	ssyncadd.s32 $0xFFFFF600  }
0x4c: {  	[tilespmem:s7], [sflag:$0x3] =	stream.linear.gather [hbm4b:s19+s3], $0xA00, $0x38;
	[tilespmem:$0x15400] =	vst v63  }
0x4d: {  	_ =	swait.ge [sflag:s5], $0xA00  }
0x4e: {  	[sflag:s5] =	ssyncset.done $0x0  }
0x4f: {  	[sflag:s5] =	ssyncadd.s32 $0xFFFFF600  }
0x50: {  	[tilespmem:s8], [sflag:$0x1] =	stream.indirect.gather [hbm4b:s2+s7], $0x20, s3, s7, $0xb8;
	[tilespmem:$0x15400] =	vst v63  }
0x51: {  	_ =	swait.ge [sflag:s9], $0x14000  }
0x52: {  	[sflag:s9] =	ssyncset.done $0x0  }
0x53: {  	[sflag:s9] =	ssyncadd.s32 $0xFFFEC000  }
0x54: {  	[hbm4b:s11+s7] =	stream.indirect.scatter [tilespmem:s8], [sflag:$0x2], $0x20, s7, s7, $0xb8;
	[tilespmem:$0x15400] =	vst v63  }
0x55: {  	_ =	swait.ge [sflag:s10], $0x14000  }
0x56: {  	s21 =	sadd.s32 $0x640, s1;
	[sflag:s10] =	ssyncset.done $0x0  }
0x57: {  	s20 =	sadd.s32 s29, s21;
	[sflag:s10] =	ssyncadd.s32 $0xFFFEC000  }
0x58: {  	[tilespmem:s3], [sflag:$0x3] =	stream.linear.gather [hbm4b:s20+s3], $0xA00, $0x38;
	[tilespmem:$0x15400] =	vst v63  }
0x59: {  	_ =	swait.ge [sflag:s5], $0xA00  }
0x5a: {  	[sflag:s5] =	ssyncset.done $0x0  }
0x5b: {  	s21 =	sadd.s32 s30, s21;
	[sflag:s5] =	ssyncadd.s32 $0xFFFFF600  }
0x5c: {  	[tilespmem:s7], [sflag:$0x3] =	stream.linear.gather [hbm4b:s21+s3], $0xA00, $0x38;
	[tilespmem:$0x15400] =	vst v63  }
0x5d: {  	_ =	swait.ge [sflag:s5], $0xA00  }
0x5e: {  	[sflag:s5] =	ssyncset.done $0x0  }
0x5f: {  	[sflag:s5] =	ssyncadd.s32 $0xFFFFF600  }
0x60: {  	[tilespmem:s8], [sflag:$0x1] =	stream.indirect.gather [hbm4b:s2+s7], $0x20, s3, s7, $0xb8;
	[tilespmem:$0x15400] =	vst v63  }
0x61: {  	_ =	swait.ge [sflag:s9], $0x14000  }
0x62: {  	[sflag:s9] =	ssyncset.done $0x0  }
0x63: {  	[sflag:s9] =	ssyncadd.s32 $0xFFFEC000  }
0x64: {  	[hbm4b:s11+s7] =	stream.indirect.scatter [tilespmem:s8], [sflag:$0x2], $0x20, s7, s7, $0xb8;
	[tilespmem:$0x15400] =	vst v63  }
0x65: {  	_ =	swait.ge [sflag:s10], $0x14000  }
0x66: {  	s23 =	sadd.s32 $0x780, s1;
	[sflag:s10] =	ssyncset.done $0x0  }
0x67: {  	s22 =	sadd.s32 s29, s23;
	[sflag:s10] =	ssyncadd.s32 $0xFFFEC000  }
0x68: {  	[tilespmem:s3], [sflag:$0x3] =	stream.linear.gather [hbm4b:s22+s3], $0xA00, $0x38;
	[tilespmem:$0x15400] =	vst v63  }
0x69: {  	_ =	swait.ge [sflag:s5], $0xA00  }
0x6a: {  	[sflag:s5] =	ssyncset.done $0x0  }
0x6b: {  	s23 =	sadd.s32 s30, s23;
	[sflag:s5] =	ssyncadd.s32 $0xFFFFF600  }
0x6c: {  	[tilespmem:s7], [sflag:$0x3] =	stream.linear.gather [hbm4b:s23+s3], $0xA00, $0x38;
	[tilespmem:$0x15400] =	vst v63  }
0x6d: {  	_ =	swait.ge [sflag:s5], $0xA00  }
0x6e: {  	[sflag:s5] =	ssyncset.done $0x0  }
0x6f: {  	[sflag:s5] =	ssyncadd.s32 $0xFFFFF600  }
0x70: {  	[tilespmem:s8], [sflag:$0x1] =	stream.indirect.gather [hbm4b:s2+s7], $0x20, s3, s7, $0xb8;
	[tilespmem:$0x15400] =	vst v63  }
0x71: {  	_ =	swait.ge [sflag:s9], $0x14000  }
0x72: {  	[sflag:s9] =	ssyncset.done $0x0  }
0x73: {  	[sflag:s9] =	ssyncadd.s32 $0xFFFEC000  }
0x74: {  	[hbm4b:s11+s7] =	stream.indirect.scatter [tilespmem:s8], [sflag:$0x2], $0x20, s7, s7, $0xb8;
	[tilespmem:$0x15400] =	vst v63  }
0x75: {  	_ =	swait.ge [sflag:s10], $0x14000  }
0x76: {  	s25 =	sadd.s32 $0x8C0, s1;
	[sflag:s10] =	ssyncset.done $0x0  }
0x77: {  	s24 =	sadd.s32 s29, s25;
	[sflag:s10] =	ssyncadd.s32 $0xFFFEC000  }
0x78: {  	[tilespmem:s3], [sflag:$0x3] =	stream.linear.gather [hbm4b:s24+s3], $0xA00, $0x38;
	[tilespmem:$0x15400] =	vst v63  }
0x79: {  	_ =	swait.ge [sflag:s5], $0xA00  }
0x7a: {  	[sflag:s5] =	ssyncset.done $0x0  }
0x7b: {  	s25 =	sadd.s32 s30, s25;
	[sflag:s5] =	ssyncadd.s32 $0xFFFFF600  }
0x7c: {  	[tilespmem:s7], [sflag:$0x3] =	stream.linear.gather [hbm4b:s25+s3], $0xA00, $0x38;
	[tilespmem:$0x15400] =	vst v63  }
0x7d: {  	_ =	swait.ge [sflag:s5], $0xA00  }
0x7e: {  	[sflag:s5] =	ssyncset.done $0x0  }
0x7f: {  	[sflag:s5] =	ssyncadd.s32 $0xFFFFF600  }
0x80: {  	[tilespmem:s8], [sflag:$0x1] =	stream.indirect.gather [hbm4b:s2+s7], $0x20, s3, s7, $0xb8;
	[tilespmem:$0x15400] =	vst v63  }
0x81: {  	_ =	swait.ge [sflag:s9], $0x14000  }
0x82: {  	[sflag:s9] =	ssyncset.done $0x0  }
0x83: {  	[sflag:s9] =	ssyncadd.s32 $0xFFFEC000  }
0x84: {  	[hbm4b:s11+s7] =	stream.indirect.scatter [tilespmem:s8], [sflag:$0x2], $0x20, s7, s7, $0xb8;
	[tilespmem:$0x15400] =	vst v63  }
0x85: {  	_ =	swait.ge [sflag:s10], $0x14000  }
0x86: {  	s28 =	sadd.s32 $0xA00, s1;
	[sflag:s10] =	ssyncset.done $0x0  }
0x87: {  	s26 =	sadd.s32 s29, s28;
	[sflag:s10] =	ssyncadd.s32 $0xFFFEC000  }
0x88: {  	[tilespmem:s3], [sflag:$0x3] =	stream.linear.gather [hbm4b:s26+s3], $0xA00, $0x38;
	[tilespmem:$0x15400] =	vst v63  }
0x89: {  	_ =	swait.ge [sflag:s5], $0xA00  }
0x8a: {  	[sflag:s5] =	ssyncset.done $0x0  }
0x8b: {  	s28 =	sadd.s32 s30, s28;
	[sflag:s5] =	ssyncadd.s32 $0xFFFFF600  }
0x8c: {  	[tilespmem:s7], [sflag:$0x3] =	stream.linear.gather [hbm4b:s28+s3], $0xA00, $0x38;
	[tilespmem:$0x15400] =	vst v63  }
0x8d: {  	_ =	swait.ge [sflag:s5], $0xA00  }
0x8e: {  	[sflag:s5] =	ssyncset.done $0x0  }
0x8f: {  	[sflag:s5] =	ssyncadd.s32 $0xFFFFF600  }
0x90: {  	[tilespmem:s8], [sflag:$0x1] =	stream.indirect.gather [hbm4b:s2+s7], $0x20, s3, s7, $0xb8;
	[tilespmem:$0x15400] =	vst v63  }
0x91: {  	_ =	swait.ge [sflag:s9], $0x14000  }
0x92: {  	[sflag:s9] =	ssyncset.done $0x0  }
0x93: {  	[sflag:s9] =	ssyncadd.s32 $0xFFFEC000  }
0x94: {  	[hbm4b:s11+s7] =	stream.indirect.scatter [tilespmem:s8], [sflag:$0x2], $0x20, s7, s7, $0xb8;
	[tilespmem:$0x15400] =	vst v63  }
0x95: {  	_ =	swait.ge [sflag:s10], $0x14000  }
0x96: {  	s1 =	sadd.s32 $0xB40, s1;
	[sflag:s10] =	ssyncset.done $0x0  }
0x97: {  	s29 =	sadd.s32 s29, s1;
	[sflag:s10] =	ssyncadd.s32 $0xFFFEC000  }
0x98: {  	[tilespmem:s3], [sflag:$0x3] =	stream.linear.gather [hbm4b:s29+s3], $0xA00, $0x38;
	[tilespmem:$0x15400] =	vst v63  }
0x99: {  	_ =	swait.ge [sflag:s5], $0xA00  }
0x9a: {  	[sflag:s5] =	ssyncset.done $0x0  }
0x9b: {  	s30 =	sadd.s32 s30, s1;
	s1 =	ssub.s32 $0x2, s31;
	[sflag:s5] =	ssyncadd.s32 $0xFFFFF600  }
0x9c: {  	[tilespmem:s7], [sflag:$0x3] =	stream.linear.gather [hbm4b:s30+s3], $0xA00, $0x38;
	[tilespmem:$0x15400] =	vst v63  }
0x9d: {  	s31 =	sshrl.u32 s1, $0x1;
	_ =	swait.ge [sflag:s5], $0xA00  }
0x9e: {  	s1 =	ssub.s32 s1, s31;
	[sflag:s5] =	ssyncset.done $0x0  }
0x9f: {  	s1 =	smax.u32 s1, $0x1;
	[sflag:s5] =	ssyncadd.s32 $0xFFFFF600  }
0xa0: {  	[tilespmem:s8], [sflag:$0x1] =	stream.indirect.gather [hbm4b:s2+s7], $0x20, s3, s7, $0xb8;
	[tilespmem:$0x15400] =	vst v63  }
0xa1: {  	p0 =	sne.s32 s1, $0x1;
	_ =	swait.ge [sflag:s9], $0x14000  }
.Ltmp0:
0xa2: {  	[sflag:s9] =	ssyncset.done $0x0;
	(pc) =	sbr.rel @!p0 .LBB2_2-.Ltmp0, $4  }
0xa3: {  	[sflag:s9] =	ssyncadd.s32 $0xFFFEC000  }
0xa4: {  	[hbm4b:s11+s7] =	stream.indirect.scatter [tilespmem:s8], [sflag:$0x2], $0x20, s7, s7, $0xb8;
	[tilespmem:$0x15400] =	vst v63  }
0xa5: {  	_ =	swait.ge [sflag:s10], $0x14000  }
0xa6: {  	s31 =	sadd.s32 $0xFFFFFFFF, s1;
	[sflag:s10] =	ssyncset.done $0x0  }
.LBB2_1:
0xa7: {  	p0 =	sne.s32 s31, $0x1;
	s31 =	sadd.s32 $0xFFFFFFFF, s31;
	[sflag:s10] =	ssyncadd.s32 $0xFFFEC000  }
0xa8: {  	[tilespmem:s3], [sflag:$0x3] =	stream.linear.gather [hbm4b:s4+s3], $0xA00, $0x38;
	[tilespmem:$0x15400] =	vst v63  }
0xa9: {  	_ =	swait.ge [sflag:s5], $0xA00  }
0xaa: {  	[sflag:s5] =	ssyncset.done $0x0  }
0xab: {  	[sflag:s5] =	ssyncadd.s32 $0xFFFFF600  }
0xac: {  	[tilespmem:s7], [sflag:$0x3] =	stream.linear.gather [hbm4b:s6+s3], $0xA00, $0x38;
	[tilespmem:$0x15400] =	vst v63  }
0xad: {  	_ =	swait.ge [sflag:s5], $0xA00  }
0xae: {  	[sflag:s5] =	ssyncset.done $0x0  }
0xaf: {  	[sflag:s5] =	ssyncadd.s32 $0xFFFFF600  }
0xb0: {  	[tilespmem:s8], [sflag:$0x1] =	stream.indirect.gather [hbm4b:s2+s7], $0x20, s3, s7, $0xb8;
	[tilespmem:$0x15400] =	vst v63  }
0xb1: {  	_ =	swait.ge [sflag:s9], $0x14000  }
0xb2: {  	[sflag:s9] =	ssyncset.done $0x0  }
0xb3: {  	[sflag:s9] =	ssyncadd.s32 $0xFFFEC000  }
0xb4: {  	[hbm4b:s11+s7] =	stream.indirect.scatter [tilespmem:s8], [sflag:$0x2], $0x20, s7, s7, $0xb8;
	[tilespmem:$0x15400] =	vst v63  }
0xb5: {  	_ =	swait.ge [sflag:s10], $0x14000  }
0xb6: {  	[sflag:s10] =	ssyncset.done $0x0  }
0xb7: {  	[sflag:s10] =	ssyncadd.s32 $0xFFFEC000  }
0xb8: {  	[tilespmem:s3], [sflag:$0x3] =	stream.linear.gather [hbm4b:s12+s3], $0xA00, $0x38;
	[tilespmem:$0x15400] =	vst v63  }
0xb9: {  	_ =	swait.ge [sflag:s5], $0xA00  }
0xba: {  	[sflag:s5] =	ssyncset.done $0x0  }
0xbb: {  	[sflag:s5] =	ssyncadd.s32 $0xFFFFF600  }
0xbc: {  	[tilespmem:s7], [sflag:$0x3] =	stream.linear.gather [hbm4b:s13+s3], $0xA00, $0x38;
	[tilespmem:$0x15400] =	vst v63  }
0xbd: {  	_ =	swait.ge [sflag:s5], $0xA00  }
0xbe: {  	[sflag:s5] =	ssyncset.done $0x0  }
0xbf: {  	[sflag:s5] =	ssyncadd.s32 $0xFFFFF600  }
0xc0: {  	[tilespmem:s8], [sflag:$0x1] =	stream.indirect.gather [hbm4b:s2+s7], $0x20, s3, s7, $0xb8;
	[tilespmem:$0x15400] =	vst v63  }
0xc1: {  	_ =	swait.ge [sflag:s9], $0x14000  }
0xc2: {  	[sflag:s9] =	ssyncset.done $0x0  }
0xc3: {  	[sflag:s9] =	ssyncadd.s32 $0xFFFEC000  }
0xc4: {  	[hbm4b:s11+s7] =	stream.indirect.scatter [tilespmem:s8], [sflag:$0x2], $0x20, s7, s7, $0xb8;
	[tilespmem:$0x15400] =	vst v63  }
0xc5: {  	_ =	swait.ge [sflag:s10], $0x14000  }
0xc6: {  	[sflag:s10] =	ssyncset.done $0x0  }
0xc7: {  	[sflag:s10] =	ssyncadd.s32 $0xFFFEC000  }
0xc8: {  	[tilespmem:s3], [sflag:$0x3] =	stream.linear.gather [hbm4b:s14+s3], $0xA00, $0x38;
	[tilespmem:$0x15400] =	vst v63  }
0xc9: {  	_ =	swait.ge [sflag:s5], $0xA00  }
0xca: {  	[sflag:s5] =	ssyncset.done $0x0  }
0xcb: {  	[sflag:s5] =	ssyncadd.s32 $0xFFFFF600  }
0xcc: {  	[tilespmem:s7], [sflag:$0x3] =	stream.linear.gather [hbm4b:s15+s3], $0xA00, $0x38;
	[tilespmem:$0x15400] =	vst v63  }
0xcd: {  	_ =	swait.ge [sflag:s5], $0xA00  }
0xce: {  	[sflag:s5] =	ssyncset.done $0x0  }
0xcf: {  	[sflag:s5] =	ssyncadd.s32 $0xFFFFF600  }
0xd0: {  	[tilespmem:s8], [sflag:$0x1] =	stream.indirect.gather [hbm4b:s2+s7], $0x20, s3, s7, $0xb8;
	[tilespmem:$0x15400] =	vst v63  }
0xd1: {  	_ =	swait.ge [sflag:s9], $0x14000  }
0xd2: {  	[sflag:s9] =	ssyncset.done $0x0  }
0xd3: {  	[sflag:s9] =	ssyncadd.s32 $0xFFFEC000  }
0xd4: {  	[hbm4b:s11+s7] =	stream.indirect.scatter [tilespmem:s8], [sflag:$0x2], $0x20, s7, s7, $0xb8;
	[tilespmem:$0x15400] =	vst v63  }
0xd5: {  	_ =	swait.ge [sflag:s10], $0x14000  }
0xd6: {  	[sflag:s10] =	ssyncset.done $0x0  }
0xd7: {  	[sflag:s10] =	ssyncadd.s32 $0xFFFEC000  }
0xd8: {  	[tilespmem:s3], [sflag:$0x3] =	stream.linear.gather [hbm4b:s16+s3], $0xA00, $0x38;
	[tilespmem:$0x15400] =	vst v63  }
0xd9: {  	_ =	swait.ge [sflag:s5], $0xA00  }
0xda: {  	[sflag:s5] =	ssyncset.done $0x0  }
0xdb: {  	[sflag:s5] =	ssyncadd.s32 $0xFFFFF600  }
0xdc: {  	[tilespmem:s7], [sflag:$0x3] =	stream.linear.gather [hbm4b:s17+s3], $0xA00, $0x38;
	[tilespmem:$0x15400] =	vst v63  }
0xdd: {  	_ =	swait.ge [sflag:s5], $0xA00  }
0xde: {  	[sflag:s5] =	ssyncset.done $0x0  }
0xdf: {  	[sflag:s5] =	ssyncadd.s32 $0xFFFFF600  }
0xe0: {  	[tilespmem:s8], [sflag:$0x1] =	stream.indirect.gather [hbm4b:s2+s7], $0x20, s3, s7, $0xb8;
	[tilespmem:$0x15400] =	vst v63  }
0xe1: {  	_ =	swait.ge [sflag:s9], $0x14000  }
0xe2: {  	[sflag:s9] =	ssyncset.done $0x0  }
0xe3: {  	[sflag:s9] =	ssyncadd.s32 $0xFFFEC000  }
0xe4: {  	[hbm4b:s11+s7] =	stream.indirect.scatter [tilespmem:s8], [sflag:$0x2], $0x20, s7, s7, $0xb8;
	[tilespmem:$0x15400] =	vst v63  }
0xe5: {  	_ =	swait.ge [sflag:s10], $0x14000  }
0xe6: {  	[sflag:s10] =	ssyncset.done $0x0  }
0xe7: {  	[sflag:s10] =	ssyncadd.s32 $0xFFFEC000  }
0xe8: {  	[tilespmem:s3], [sflag:$0x3] =	stream.linear.gather [hbm4b:s18+s3], $0xA00, $0x38;
	[tilespmem:$0x15400] =	vst v63  }
0xe9: {  	_ =	swait.ge [sflag:s5], $0xA00  }
0xea: {  	[sflag:s5] =	ssyncset.done $0x0  }
0xeb: {  	[sflag:s5] =	ssyncadd.s32 $0xFFFFF600  }
0xec: {  	[tilespmem:s7], [sflag:$0x3] =	stream.linear.gather [hbm4b:s19+s3], $0xA00, $0x38;
	[tilespmem:$0x15400] =	vst v63  }
0xed: {  	_ =	swait.ge [sflag:s5], $0xA00  }
0xee: {  	[sflag:s5] =	ssyncset.done $0x0  }
0xef: {  	[sflag:s5] =	ssyncadd.s32 $0xFFFFF600  }
0xf0: {  	[tilespmem:s8], [sflag:$0x1] =	stream.indirect.gather [hbm4b:s2+s7], $0x20, s3, s7, $0xb8;
	[tilespmem:$0x15400] =	vst v63  }
0xf1: {  	_ =	swait.ge [sflag:s9], $0x14000  }
0xf2: {  	[sflag:s9] =	ssyncset.done $0x0  }
0xf3: {  	[sflag:s9] =	ssyncadd.s32 $0xFFFEC000  }
0xf4: {  	[hbm4b:s11+s7] =	stream.indirect.scatter [tilespmem:s8], [sflag:$0x2], $0x20, s7, s7, $0xb8;
	[tilespmem:$0x15400] =	vst v63  }
0xf5: {  	_ =	swait.ge [sflag:s10], $0x14000  }
0xf6: {  	[sflag:s10] =	ssyncset.done $0x0  }
0xf7: {  	[sflag:s10] =	ssyncadd.s32 $0xFFFEC000  }
0xf8: {  	[tilespmem:s3], [sflag:$0x3] =	stream.linear.gather [hbm4b:s20+s3], $0xA00, $0x38;
	[tilespmem:$0x15400] =	vst v63  }
0xf9: {  	_ =	swait.ge [sflag:s5], $0xA00  }
0xfa: {  	[sflag:s5] =	ssyncset.done $0x0  }
0xfb: {  	[sflag:s5] =	ssyncadd.s32 $0xFFFFF600  }
0xfc: {  	[tilespmem:s7], [sflag:$0x3] =	stream.linear.gather [hbm4b:s21+s3], $0xA00, $0x38;
	[tilespmem:$0x15400] =	vst v63  }
0xfd: {  	_ =	swait.ge [sflag:s5], $0xA00  }
0xfe: {  	[sflag:s5] =	ssyncset.done $0x0  }
0xff: {  	[sflag:s5] =	ssyncadd.s32 $0xFFFFF600  }
0x100: {  	[tilespmem:s8], [sflag:$0x1] =	stream.indirect.gather [hbm4b:s2+s7], $0x20, s3, s7, $0xb8;
	[tilespmem:$0x15400] =	vst v63  }
0x101: {  	_ =	swait.ge [sflag:s9], $0x14000  }
0x102: {  	[sflag:s9] =	ssyncset.done $0x0  }
0x103: {  	[sflag:s9] =	ssyncadd.s32 $0xFFFEC000  }
0x104: {  	[hbm4b:s11+s7] =	stream.indirect.scatter [tilespmem:s8], [sflag:$0x2], $0x20, s7, s7, $0xb8;
	[tilespmem:$0x15400] =	vst v63  }
0x105: {  	_ =	swait.ge [sflag:s10], $0x14000  }
0x106: {  	[sflag:s10] =	ssyncset.done $0x0  }
0x107: {  	[sflag:s10] =	ssyncadd.s32 $0xFFFEC000  }
0x108: {  	[tilespmem:s3], [sflag:$0x3] =	stream.linear.gather [hbm4b:s22+s3], $0xA00, $0x38;
	[tilespmem:$0x15400] =	vst v63  }
0x109: {  	_ =	swait.ge [sflag:s5], $0xA00  }
0x10a: {  	[sflag:s5] =	ssyncset.done $0x0  }
0x10b: {  	[sflag:s5] =	ssyncadd.s32 $0xFFFFF600  }
0x10c: {  	[tilespmem:s7], [sflag:$0x3] =	stream.linear.gather [hbm4b:s23+s3], $0xA00, $0x38;
	[tilespmem:$0x15400] =	vst v63  }
0x10d: {  	_ =	swait.ge [sflag:s5], $0xA00  }
0x10e: {  	[sflag:s5] =	ssyncset.done $0x0  }
0x10f: {  	[sflag:s5] =	ssyncadd.s32 $0xFFFFF600  }
0x110: {  	[tilespmem:s8], [sflag:$0x1] =	stream.indirect.gather [hbm4b:s2+s7], $0x20, s3, s7, $0xb8;
	[tilespmem:$0x15400] =	vst v63  }
0x111: {  	_ =	swait.ge [sflag:s9], $0x14000  }
0x112: {  	[sflag:s9] =	ssyncset.done $0x0  }
0x113: {  	[sflag:s9] =	ssyncadd.s32 $0xFFFEC000  }
0x114: {  	[hbm4b:s11+s7] =	stream.indirect.scatter [tilespmem:s8], [sflag:$0x2], $0x20, s7, s7, $0xb8;
	[tilespmem:$0x15400] =	vst v63  }
0x115: {  	_ =	swait.ge [sflag:s10], $0x14000  }
0x116: {  	[sflag:s10] =	ssyncset.done $0x0  }
0x117: {  	[sflag:s10] =	ssyncadd.s32 $0xFFFEC000  }
0x118: {  	[tilespmem:s3], [sflag:$0x3] =	stream.linear.gather [hbm4b:s24+s3], $0xA00, $0x38;
	[tilespmem:$0x15400] =	vst v63  }
0x119: {  	_ =	swait.ge [sflag:s5], $0xA00  }
0x11a: {  	[sflag:s5] =	ssyncset.done $0x0  }
0x11b: {  	[sflag:s5] =	ssyncadd.s32 $0xFFFFF600  }
0x11c: {  	[tilespmem:s7], [sflag:$0x3] =	stream.linear.gather [hbm4b:s25+s3], $0xA00, $0x38;
	[tilespmem:$0x15400] =	vst v63  }
0x11d: {  	_ =	swait.ge [sflag:s5], $0xA00  }
0x11e: {  	[sflag:s5] =	ssyncset.done $0x0  }
0x11f: {  	[sflag:s5] =	ssyncadd.s32 $0xFFFFF600  }
0x120: {  	[tilespmem:s8], [sflag:$0x1] =	stream.indirect.gather [hbm4b:s2+s7], $0x20, s3, s7, $0xb8;
	[tilespmem:$0x15400] =	vst v63  }
0x121: {  	_ =	swait.ge [sflag:s9], $0x14000  }
0x122: {  	[sflag:s9] =	ssyncset.done $0x0  }
0x123: {  	[sflag:s9] =	ssyncadd.s32 $0xFFFEC000  }
0x124: {  	[hbm4b:s11+s7] =	stream.indirect.scatter [tilespmem:s8], [sflag:$0x2], $0x20, s7, s7, $0xb8;
	[tilespmem:$0x15400] =	vst v63  }
0x125: {  	_ =	swait.ge [sflag:s10], $0x14000  }
0x126: {  	[sflag:s10] =	ssyncset.done $0x0  }
0x127: {  	[sflag:s10] =	ssyncadd.s32 $0xFFFEC000  }
0x128: {  	[tilespmem:s3], [sflag:$0x3] =	stream.linear.gather [hbm4b:s26+s3], $0xA00, $0x38;
	[tilespmem:$0x15400] =	vst v63  }
0x129: {  	_ =	swait.ge [sflag:s5], $0xA00  }
0x12a: {  	[sflag:s5] =	ssyncset.done $0x0  }
0x12b: {  	[sflag:s5] =	ssyncadd.s32 $0xFFFFF600  }
0x12c: {  	[tilespmem:s7], [sflag:$0x3] =	stream.linear.gather [hbm4b:s28+s3], $0xA00, $0x38;
	[tilespmem:$0x15400] =	vst v63  }
0x12d: {  	_ =	swait.ge [sflag:s5], $0xA00  }
0x12e: {  	[sflag:s5] =	ssyncset.done $0x0  }
0x12f: {  	[sflag:s5] =	ssyncadd.s32 $0xFFFFF600  }
0x130: {  	[tilespmem:s8], [sflag:$0x1] =	stream.indirect.gather [hbm4b:s2+s7], $0x20, s3, s7, $0xb8;
	[tilespmem:$0x15400] =	vst v63  }
0x131: {  	_ =	swait.ge [sflag:s9], $0x14000  }
0x132: {  	[sflag:s9] =	ssyncset.done $0x0  }
0x133: {  	[sflag:s9] =	ssyncadd.s32 $0xFFFEC000  }
0x134: {  	[hbm4b:s11+s7] =	stream.indirect.scatter [tilespmem:s8], [sflag:$0x2], $0x20, s7, s7, $0xb8;
	[tilespmem:$0x15400] =	vst v63  }
0x135: {  	_ =	swait.ge [sflag:s10], $0x14000  }
0x136: {  	[sflag:s10] =	ssyncset.done $0x0  }
0x137: {  	[sflag:s10] =	ssyncadd.s32 $0xFFFEC000  }
0x138: {  	[tilespmem:s3], [sflag:$0x3] =	stream.linear.gather [hbm4b:s29+s3], $0xA00, $0x38;
	[tilespmem:$0x15400] =	vst v63  }
0x139: {  	_ =	swait.ge [sflag:s5], $0xA00  }
0x13a: {  	[sflag:s5] =	ssyncset.done $0x0  }
0x13b: {  	[sflag:s5] =	ssyncadd.s32 $0xFFFFF600  }
0x13c: {  	[tilespmem:s7], [sflag:$0x3] =	stream.linear.gather [hbm4b:s30+s3], $0xA00, $0x38;
	[tilespmem:$0x15400] =	vst v63  }
0x13d: {  	_ =	swait.ge [sflag:s5], $0xA00  }
0x13e: {  	[sflag:s5] =	ssyncset.done $0x0  }
0x13f: {  	[sflag:s5] =	ssyncadd.s32 $0xFFFFF600  }
0x140: {  	[tilespmem:s8], [sflag:$0x1] =	stream.indirect.gather [hbm4b:s2+s7], $0x20, s3, s7, $0xb8;
	[tilespmem:$0x15400] =	vst v63  }
0x141: {  	_ =	swait.ge [sflag:s9], $0x14000  }
.Ltmp1:
0x142: {  	[sflag:s9] =	ssyncset.done $0x0;
	(pc) =	sbr.rel @p0 .LBB2_1-.Ltmp1, $4  }
0x143: {  	[sflag:s9] =	ssyncadd.s32 $0xFFFEC000  }
0x144: {  	[hbm4b:s11+s7] =	stream.indirect.scatter [tilespmem:s8], [sflag:$0x2], $0x20, s7, s7, $0xb8;
	[tilespmem:$0x15400] =	vst v63  }
0x145: {  	_ =	swait.ge [sflag:s10], $0x14000  }
0x146: {  	[sflag:s10] =	ssyncset.done $0x0  }
.LBB2_2:
0x147: {  	[sflag:s10] =	ssyncadd.s32 $0xFFFEC000  }
0x148: {  	_ =	sfence.sel $0x180000  }
0x149: {  	[bflag:$0x0] =	sbarrier.arrive $0xFFFF  }
0x14a: {  	_ =	strace $0x90000047  }
0x14b: {  	[bflag:$0x2] =	sbarrier.arrive $0xFFFF  }
0x14c: {  	p0 =	sne.s32 s0, $0x0;
	s0 =	rddreg [dreg:$0x2]  }
0x14d: {  	s0 =	sadd.s32 @!p0 $0x100000, s0  }
0x14e: {  	[sflag:s0] =	ssyncadd.tile.s32 @!p0 $0x1;
	_ =	shalt  }
.Lfunc_end2:
_tile_overlayer_lowered:
.L_overlay_start_2:
0x14f: {  	(tag) =	ssettag $0x2  }
0x150: {  	s0 =	rddreg [dreg:$0x0];
	s2 =	stileid.u32  }
0x151: {  	s1 =	rddreg [dreg:$0x1];
	p0 =	sne.s32 s2, $0x0  }
0x152: {  	s3 =	rddreg [dreg:$0x2];
	[bflag:$0x3] =	sbarrier.arrive $0xFFFF;
	s2 =	simm.s32 @!p0 $0x1C03  }
0x153: {  	[timem:s3], [sflag:s2] =	dma.local @!p0 [hbm:s0], s1  }
0x154: {  	s0 =	simm.s32 @!p0 $0x3  }
0x155: {  	_ =	swait.ge @!p0 [sflag:s0], s1  }
0x156: {  	s1 =	ssub.s32 @!p0 $0x0, s1;
	[sflag:s0] =	ssyncset.done @!p0 $0x0  }
0x157: {  	[sflag:s0] =	ssyncadd.s32 @!p0 s1  }
0x158: {  	[bflag:$0x3] =	sbarrier.arrive $0xFFFF  }
0x159: {  	_ =	shalt  }

</sc_bundles>
